<compile_context>
chip_gen: v7x
topology: tpu7x:2x2x1
jax: 0.10.2.dev20260603
libtpu: 0.0.44.dev20260713+nightly
codegen_flags: <defaults>
</compile_context>

<pallas_src>
import functools

import jax
import jax.numpy as jnp
from jax import lax
from jax.experimental import pallas as pl
from jax.experimental.pallas import tpu as pltpu
from jax.experimental.pallas import tpu_sc as plsc

VOCAB = 1000
VPAD = 1024
FEAT = 128
LPG = 128
K = 2
CHUNK = K * LPG
NBUF = 2


@functools.cache
def _build(B):
    info = plsc.get_sparse_core_info()
    NW = info.num_cores * info.num_subcores
    per_w = B // NW
    n_chunks = per_w // CHUNK
    assert per_w % CHUNK == 0 and n_chunks % 4 == 0 and n_chunks >= 8
    rows_per_w = per_w // LPG

    mesh = plsc.VectorSubcoreMesh(core_axis_name="c", subcore_axis_name="s")

    @functools.partial(
        pl.kernel,
        out_type=jax.ShapeDtypeStruct((B, FEAT), jnp.float32),
        mesh=mesh,
        scratch_types=[
            pltpu.VMEM((2, 2 * K, LPG), jnp.int32),
            pltpu.VMEM((NBUF, CHUNK, FEAT), jnp.float32),
            pltpu.VMEM_SHARED((VPAD, FEAT), jnp.float32),
        ] + [pltpu.SemaphoreType.DMA] * 6,
    )
    def k(idx_hbm, table_hbm, out_hbm, idx_v, rows_v, table_sp, *sems):
        sem_i = sems[:2]
        sem_o = sems[2:4]
        sem_gs = sems[4:]
        wid = lax.axis_index("s") * info.num_cores + lax.axis_index("c")
        row0 = wid * rows_per_w
        out0 = wid * per_w

        def idx_copy(m, p):
            return pltpu.make_async_copy(
                idx_hbm.at[pl.ds(row0 + m * 2 * K, 2 * K)], idx_v.at[p],
                sem_i[p],
            )

        def out_copy(g, b):
            return pltpu.make_async_copy(
                rows_v.at[b], out_hbm.at[pl.ds(out0 + g * CHUNK, CHUNK)],
                sem_o[b],
            )

        sub = lax.axis_index("s")
        tslice = pl.ds(sub * (VPAD // 16), VPAD // 16)
        pltpu.sync_copy(table_hbm.at[tslice], rows_v.at[0, pl.ds(0, VPAD // 16)])
        pltpu.sync_copy(rows_v.at[0, pl.ds(0, VPAD // 16)], table_sp.at[tslice])
        plsc.subcore_barrier()

        def gather(b, p, h, j):
            return pltpu.make_async_copy(
                table_sp.at[idx_v.at[p, h * K + j]],
                rows_v.at[b, pl.ds(j * LPG, LPG)],
                sem_gs[b],
            )

        def fire_gathers(g, b, p, h):
            @pl.when(g >= NBUF)
            def _():
                out_copy(g - NBUF, b).wait()

            if h == 0:
                idx_copy(g // 2, p).wait()
            for j in range(K):
                gather(b, p, h, j).start()

        def chunk_step(g, u):
            b, p, h = u % 2, (u // 2) % 2, u % 2
            for j in range(K):
                gather(b, p, h, j).wait()
            out_copy(g, b).start()

            if h == 1:
                @pl.when(g + 4 < n_chunks)
                def _():
                    idx_copy(g // 2 + 2, p).start()

            un = (u + 1) % 4
            @pl.when(g + 1 < n_chunks)
            def _():
                fire_gathers(g + 1, un % 2, (un // 2) % 2, un % 2)

        idx_copy(jnp.int32(0), 0).start()
        idx_copy(jnp.int32(1), 1).start()
        fire_gathers(jnp.int32(0), 0, 0, 0)

        @pl.loop(0, n_chunks, step=4)
        def _(g0):
            for u in range(4):
                chunk_step(g0 + u, u)

        for g in range(n_chunks - NBUF, n_chunks):
            out_copy(jnp.int32(g), g % NBUF).wait()

    return k


def kernel(word_indexs, embedding_weight):
    B = word_indexs.shape[0] * word_indexs.shape[1]
    idx2d = word_indexs.reshape(B // LPG, LPG).astype(jnp.int32)
    tpad = jnp.pad(embedding_weight, ((0, VPAD - VOCAB), (0, 0)))
    out = _build(B)(idx2d, tpad)
    return out.reshape(word_indexs.shape[0], word_indexs.shape[1], FEAT)

# --- scband reference (transcript-rebuilt; emitter-appended) ---
"""Pipeline reference for scband-initialization-57363583205512 (READ-ONLY COPY).

The authoritative reference and input builder live on the scoring server;
editing this copy changes nothing except your own understanding.
"""

import jax, jax.numpy as jnp
import numpy as np

VOCAB = 1000
FEAT_DIM = 128
BATCH = 16384
HIST = 200

def _xavier_normal(key, shape):
    fan_in, fan_out = shape[1], shape[0]
    std = (2.0 / (fan_in + fan_out)) ** 0.5
    return jax.random.normal(key, shape, dtype=jnp.float32) * std

def setup_inputs(seed: int = 0) -> dict:
    key = jax.random.key(seed)
    k1, k2 = jax.random.split(key)
    word_indexs = jax.random.randint(k1, (BATCH, HIST), 0, VOCAB, dtype=jnp.int64 if jax.config.read('jax_enable_x64') else jnp.int32)
    embedding_weight = _xavier_normal(k2, (VOCAB, FEAT_DIM))
    return {"word_indexs": word_indexs, "embedding_weight": embedding_weight}

def reference(word_indexs, embedding_weight):
    # nn.Embedding lookup: gather rows of the table by index
    X = jnp.take(embedding_weight, word_indexs, axis=0)
    return X

if __name__ == "__main__":
    import jax
    _d = setup_inputs()
    print(jax.jit(kernel)(*tuple(_d.values())))

</pallas_src>

<mosaic_0001>
#map = affine_map<(d0, d1) -> (0, 0)>
module attributes {stable_mosaic.version = 14 : i64} {
  func.func @k(%arg0: i32, %arg1: i32, %arg2: memref<25600x128xi32, #tpu.memory_space<hbm>>, %arg3: memref<1024x128xf32, #tpu.memory_space<hbm>>, %arg4: memref<3276800x128xf32, #tpu.memory_space<hbm>>, %arg5: memref<2x4x128xi32, #tpu.memory_space<vmem>>, %arg6: memref<2x256x128xf32, #tpu.memory_space<vmem>>, %arg7: memref<1024x128xf32, #tpu.memory_space<vmem_shared>>, %arg8: memref<!tpu.dma_semaphore, #tpu.memory_space<semaphore_mem>>, %arg9: memref<!tpu.dma_semaphore, #tpu.memory_space<semaphore_mem>>, %arg10: memref<!tpu.dma_semaphore, #tpu.memory_space<semaphore_mem>>, %arg11: memref<!tpu.dma_semaphore, #tpu.memory_space<semaphore_mem>>, %arg12: memref<!tpu.dma_semaphore, #tpu.memory_space<semaphore_mem>>, %arg13: memref<!tpu.dma_semaphore, #tpu.memory_space<semaphore_mem>>) attributes {dimension_semantics = [#tpu.dimension_semantics<core_parallel>, #tpu.dimension_semantics<subcore_parallel>], iteration_bounds = array<i64: 2, 16>, scalar_prefetch = 0 : i64, scratch_operands = 9 : i64, tpu.core_type = #tpu.core_type<sc_vector_subcore>, window_params = [{transform_indices = #map}, {transform_indices = #map}, {transform_indices = #map}]} {
    %mul3A = arith.constant 2 : i32
    %mul3A_0 = arith.muli %arg1, %mul3A : i32
    %add3A = arith.addi %mul3A_0, %arg0 : i32
    %mul3A_1 = arith.constant 800 : i32
    %mul3A_2 = arith.muli %add3A, %mul3A_1 : i32
    %mul3A_3 = arith.constant 102400 : i32
    %mul3A_4 = arith.muli %add3A, %mul3A_3 : i32
    %mul3A_5 = arith.constant 64 : i32
    %mul3A_6 = arith.muli %arg1, %mul3A_5 : i32
    %run_scoped3A = arith.constant 0 : i32
    "tpu.region"() ({
      %run_scoped3A_147 = tpu.sem_alloc : memref<!tpu.dma_semaphore, #tpu.memory_space<semaphore_mem>>
      %dma_start3A_148 = arith.constant 0 : i32
      %dma_start3A_149 = arith.constant 0 : i32
      %dma_start3A_150 = tpu.memref_slice %arg6[%run_scoped3A, %dma_start3A_148, %dma_start3A_149] : memref<2x256x128xf32, #tpu.memory_space<vmem>> -> memref<1x64x128xf32, #tpu.memory_space<vmem>>
      %dma_start3A_151 = tpu.memref_squeeze %dma_start3A_150 : memref<1x64x128xf32, #tpu.memory_space<vmem>> -> memref<64x128xf32, #tpu.memory_space<vmem>>
      %dma_start3A_152 = arith.constant 0 : i32
      %dma_start3A_153 = tpu.memref_slice %arg3[%mul3A_6, %dma_start3A_152] : memref<1024x128xf32, #tpu.memory_space<hbm>> -> memref<64x128xf32, #tpu.memory_space<hbm>>
      %dma_start3A_154 = arith.constant 0 : i32
      %dma_start3A_155 = arith.constant 0 : i32
      %dma_start3A_156 = tpu.memref_slice %arg6[%run_scoped3A, %dma_start3A_154, %dma_start3A_155] : memref<2x256x128xf32, #tpu.memory_space<vmem>> -> memref<1x64x128xf32, #tpu.memory_space<vmem>>
      %dma_start3A_157 = tpu.memref_squeeze %dma_start3A_156 : memref<1x64x128xf32, #tpu.memory_space<vmem>> -> memref<64x128xf32, #tpu.memory_space<vmem>>
      %dma_start3A_158 = arith.constant 0 : i32
      %dma_start3A_159 = tpu.memref_slice %arg3[%mul3A_6, %dma_start3A_158] : memref<1024x128xf32, #tpu.memory_space<hbm>> -> memref<64x128xf32, #tpu.memory_space<hbm>>
      tpu.enqueue_dma source(%dma_start3A_159 : memref<64x128xf32, #tpu.memory_space<hbm>>) target(%dma_start3A_157 : memref<64x128xf32, #tpu.memory_space<vmem>>) target_semaphore(%run_scoped3A_147 : memref<!tpu.dma_semaphore, #tpu.memory_space<semaphore_mem>>)
      %dma_wait3A_160 = arith.constant 0 : i32
      %dma_wait3A_161 = arith.constant 0 : i32
      %dma_wait3A_162 = tpu.memref_slice %arg6[%run_scoped3A, %dma_wait3A_160, %dma_wait3A_161] : memref<2x256x128xf32, #tpu.memory_space<vmem>> -> memref<1x64x128xf32, #tpu.memory_space<vmem>>
      %dma_wait3A_163 = tpu.memref_squeeze %dma_wait3A_162 : memref<1x64x128xf32, #tpu.memory_space<vmem>> -> memref<64x128xf32, #tpu.memory_space<vmem>>
      %dma_wait3A_164 = arith.constant 0 : i32
      %dma_wait3A_165 = tpu.memref_slice %arg3[%mul3A_6, %dma_wait3A_164] : memref<1024x128xf32, #tpu.memory_space<hbm>> -> memref<64x128xf32, #tpu.memory_space<hbm>>
      %dma_wait3A_166 = arith.constant 0 : i32
      %dma_wait3A_167 = arith.constant 0 : i32
      %dma_wait3A_168 = tpu.memref_slice %arg6[%run_scoped3A, %dma_wait3A_166, %dma_wait3A_167] : memref<2x256x128xf32, #tpu.memory_space<vmem>> -> memref<1x64x128xf32, #tpu.memory_space<vmem>>
      %dma_wait3A_169 = tpu.memref_squeeze %dma_wait3A_168 : memref<1x64x128xf32, #tpu.memory_space<vmem>> -> memref<64x128xf32, #tpu.memory_space<vmem>>
      %dma_wait3A_170 = arith.constant 0 : i32
      %dma_wait3A_171 = tpu.memref_slice %arg3[%mul3A_6, %dma_wait3A_170] : memref<1024x128xf32, #tpu.memory_space<hbm>> -> memref<64x128xf32, #tpu.memory_space<hbm>>
      tpu.wait_dma2 semaphore(%run_scoped3A_147 : memref<!tpu.dma_semaphore, #tpu.memory_space<semaphore_mem>>) src(%dma_wait3A_171 : memref<64x128xf32, #tpu.memory_space<hbm>>) dst(%dma_wait3A_169 : memref<64x128xf32, #tpu.memory_space<vmem>>)
      tpu.yield
    }) : () -> ()
    %run_scoped3A_7 = arith.constant 0 : i32
    "tpu.region"() ({
      %run_scoped3A_147 = tpu.sem_alloc : memref<!tpu.dma_semaphore, #tpu.memory_space<semaphore_mem>>
      %dma_start3A_148 = arith.constant 0 : i32
      %dma_start3A_149 = arith.constant 0 : i32
      %dma_start3A_150 = tpu.memref_slice %arg6[%run_scoped3A_7, %dma_start3A_148, %dma_start3A_149] : memref<2x256x128xf32, #tpu.memory_space<vmem>> -> memref<1x64x128xf32, #tpu.memory_space<vmem>>
      %dma_start3A_151 = tpu.memref_squeeze %dma_start3A_150 : memref<1x64x128xf32, #tpu.memory_space<vmem>> -> memref<64x128xf32, #tpu.memory_space<vmem>>
      %dma_start3A_152 = arith.constant 0 : i32
      %dma_start3A_153 = tpu.memref_slice %arg7[%mul3A_6, %dma_start3A_152] : memref<1024x128xf32, #tpu.memory_space<vmem_shared>> -> memref<64x128xf32, #tpu.memory_space<vmem_shared>>
      %dma_start3A_154 = arith.constant 0 : i32
      %dma_start3A_155 = tpu.memref_slice %arg7[%mul3A_6, %dma_start3A_154] : memref<1024x128xf32, #tpu.memory_space<vmem_shared>> -> memref<64x128xf32, #tpu.memory_space<vmem_shared>>
      %dma_start3A_156 = arith.constant 0 : i32
      %dma_start3A_157 = arith.constant 0 : i32
      %dma_start3A_158 = tpu.memref_slice %arg6[%run_scoped3A_7, %dma_start3A_156, %dma_start3A_157] : memref<2x256x128xf32, #tpu.memory_space<vmem>> -> memref<1x64x128xf32, #tpu.memory_space<vmem>>
      %dma_start3A_159 = tpu.memref_squeeze %dma_start3A_158 : memref<1x64x128xf32, #tpu.memory_space<vmem>> -> memref<64x128xf32, #tpu.memory_space<vmem>>
      tpu.enqueue_dma source(%dma_start3A_159 : memref<64x128xf32, #tpu.memory_space<vmem>>) target(%dma_start3A_155 : memref<64x128xf32, #tpu.memory_space<vmem_shared>>) target_semaphore(%run_scoped3A_147 : memref<!tpu.dma_semaphore, #tpu.memory_space<semaphore_mem>>)
      %dma_wait3A_160 = arith.constant 0 : i32
      %dma_wait3A_161 = arith.constant 0 : i32
      %dma_wait3A_162 = tpu.memref_slice %arg6[%run_scoped3A_7, %dma_wait3A_160, %dma_wait3A_161] : memref<2x256x128xf32, #tpu.memory_space<vmem>> -> memref<1x64x128xf32, #tpu.memory_space<vmem>>
      %dma_wait3A_163 = tpu.memref_squeeze %dma_wait3A_162 : memref<1x64x128xf32, #tpu.memory_space<vmem>> -> memref<64x128xf32, #tpu.memory_space<vmem>>
      %dma_wait3A_164 = arith.constant 0 : i32
      %dma_wait3A_165 = tpu.memref_slice %arg7[%mul3A_6, %dma_wait3A_164] : memref<1024x128xf32, #tpu.memory_space<vmem_shared>> -> memref<64x128xf32, #tpu.memory_space<vmem_shared>>
      %dma_wait3A_166 = arith.constant 0 : i32
      %dma_wait3A_167 = tpu.memref_slice %arg7[%mul3A_6, %dma_wait3A_166] : memref<1024x128xf32, #tpu.memory_space<vmem_shared>> -> memref<64x128xf32, #tpu.memory_space<vmem_shared>>
      %dma_wait3A_168 = arith.constant 0 : i32
      %dma_wait3A_169 = arith.constant 0 : i32
      %dma_wait3A_170 = tpu.memref_slice %arg6[%run_scoped3A_7, %dma_wait3A_168, %dma_wait3A_169] : memref<2x256x128xf32, #tpu.memory_space<vmem>> -> memref<1x64x128xf32, #tpu.memory_space<vmem>>
      %dma_wait3A_171 = tpu.memref_squeeze %dma_wait3A_170 : memref<1x64x128xf32, #tpu.memory_space<vmem>> -> memref<64x128xf32, #tpu.memory_space<vmem>>
      tpu.wait_dma2 semaphore(%run_scoped3A_147 : memref<!tpu.dma_semaphore, #tpu.memory_space<semaphore_mem>>) src(%dma_wait3A_171 : memref<64x128xf32, #tpu.memory_space<vmem>>) dst(%dma_wait3A_167 : memref<64x128xf32, #tpu.memory_space<vmem_shared>>)
      tpu.yield
    }) : () -> ()
    %barrier3A = arith.constant 0 : index
    tpu.barrier barrier_id(%barrier3A)
    %mul3A_8 = arith.constant 0 : i32
    %mul3A_9 = arith.constant 2 : i32
    %mul3A_10 = arith.muli %mul3A_8, %mul3A_9 : i32
    %mul3A_11 = arith.constant 2 : i32
    %mul3A_12 = arith.muli %mul3A_10, %mul3A_11 : i32
    %add3A_13 = arith.addi %mul3A_2, %mul3A_12 : i32
    %dma_start3A = arith.constant 0 : i32
    %dma_start3A_14 = arith.constant 0 : i32
    %dma_start3A_15 = arith.constant 0 : i32
    %dma_start3A_16 = tpu.memref_slice %arg5[%dma_start3A, %dma_start3A_14, %dma_start3A_15] : memref<2x4x128xi32, #tpu.memory_space<vmem>> -> memref<1x4x128xi32, #tpu.memory_space<vmem>>
    %dma_start3A_17 = tpu.memref_squeeze %dma_start3A_16 : memref<1x4x128xi32, #tpu.memory_space<vmem>> -> memref<4x128xi32, #tpu.memory_space<vmem>>
    %dma_start3A_18 = arith.constant 0 : i32
    %dma_start3A_19 = tpu.memref_slice %arg2[%add3A_13, %dma_start3A_18] : memref<25600x128xi32, #tpu.memory_space<hbm>> -> memref<4x128xi32, #tpu.memory_space<hbm>>
    %dma_start3A_20 = arith.constant 0 : i32
    %dma_start3A_21 = arith.constant 0 : i32
    %dma_start3A_22 = tpu.memref_slice %arg5[%dma_start3A, %dma_start3A_20, %dma_start3A_21] : memref<2x4x128xi32, #tpu.memory_space<vmem>> -> memref<1x4x128xi32, #tpu.memory_space<vmem>>
    %dma_start3A_23 = tpu.memref_squeeze %dma_start3A_22 : memref<1x4x128xi32, #tpu.memory_space<vmem>> -> memref<4x128xi32, #tpu.memory_space<vmem>>
    %dma_start3A_24 = arith.constant 0 : i32
    %dma_start3A_25 = tpu.memref_slice %arg2[%add3A_13, %dma_start3A_24] : memref<25600x128xi32, #tpu.memory_space<hbm>> -> memref<4x128xi32, #tpu.memory_space<hbm>>
    tpu.enqueue_dma source(%dma_start3A_25 : memref<4x128xi32, #tpu.memory_space<hbm>>) target(%dma_start3A_23 : memref<4x128xi32, #tpu.memory_space<vmem>>) target_semaphore(%arg8 : memref<!tpu.dma_semaphore, #tpu.memory_space<semaphore_mem>>)
    %mul3A_26 = arith.constant 1 : i32
    %mul3A_27 = arith.constant 2 : i32
    %mul3A_28 = arith.muli %mul3A_26, %mul3A_27 : i32
    %mul3A_29 = arith.constant 2 : i32
    %mul3A_30 = arith.muli %mul3A_28, %mul3A_29 : i32
    %add3A_31 = arith.addi %mul3A_2, %mul3A_30 : i32
    %dma_start3A_32 = arith.constant 1 : i32
    %dma_start3A_33 = arith.constant 0 : i32
    %dma_start3A_34 = arith.constant 0 : i32
    %dma_start3A_35 = tpu.memref_slice %arg5[%dma_start3A_32, %dma_start3A_33, %dma_start3A_34] : memref<2x4x128xi32, #tpu.memory_space<vmem>> -> memref<1x4x128xi32, #tpu.memory_space<vmem>>
    %dma_start3A_36 = tpu.memref_squeeze %dma_start3A_35 : memref<1x4x128xi32, #tpu.memory_space<vmem>> -> memref<4x128xi32, #tpu.memory_space<vmem>>
    %dma_start3A_37 = arith.constant 0 : i32
    %dma_start3A_38 = tpu.memref_slice %arg2[%add3A_31, %dma_start3A_37] : memref<25600x128xi32, #tpu.memory_space<hbm>> -> memref<4x128xi32, #tpu.memory_space<hbm>>
    %dma_start3A_39 = arith.constant 0 : i32
    %dma_start3A_40 = arith.constant 0 : i32
    %dma_start3A_41 = tpu.memref_slice %arg5[%dma_start3A_32, %dma_start3A_39, %dma_start3A_40] : memref<2x4x128xi32, #tpu.memory_space<vmem>> -> memref<1x4x128xi32, #tpu.memory_space<vmem>>
    %dma_start3A_42 = tpu.memref_squeeze %dma_start3A_41 : memref<1x4x128xi32, #tpu.memory_space<vmem>> -> memref<4x128xi32, #tpu.memory_space<vmem>>
    %dma_start3A_43 = arith.constant 0 : i32
    %dma_start3A_44 = tpu.memref_slice %arg2[%add3A_31, %dma_start3A_43] : memref<25600x128xi32, #tpu.memory_space<hbm>> -> memref<4x128xi32, #tpu.memory_space<hbm>>
    tpu.enqueue_dma source(%dma_start3A_44 : memref<4x128xi32, #tpu.memory_space<hbm>>) target(%dma_start3A_42 : memref<4x128xi32, #tpu.memory_space<vmem>>) target_semaphore(%arg9 : memref<!tpu.dma_semaphore, #tpu.memory_space<semaphore_mem>>)
    %ge3A = arith.constant 0 : i32
    %ge3A_45 = arith.constant 2 : i32
    %ge3A_46 = arith.cmpi sge, %ge3A, %ge3A_45 : i32
    %convert_element_type3A = arith.extui %ge3A_46 : i1 to i32
    %cond3A = arith.constant 0 : i32
    %cond3A_47 = arith.constant 0 : i32
    %cond3A_48 = arith.cmpi ne, %convert_element_type3A, %cond3A_47 : i32
    scf.if %cond3A_48 {
      %sub3A_147 = arith.constant 2 : i32
      %sub3A_148 = arith.subi %cond3A, %sub3A_147 : i32
      %mul3A_149 = arith.constant 256 : i32
      %mul3A_150 = arith.muli %sub3A_148, %mul3A_149 : i32
      %add3A_151 = arith.addi %mul3A_4, %mul3A_150 : i32
      %dma_wait3A_152 = arith.constant 0 : i32
      %dma_wait3A_153 = arith.constant 0 : i32
      %dma_wait3A_154 = arith.constant 0 : i32
      %dma_wait3A_155 = tpu.memref_slice %arg6[%dma_wait3A_152, %dma_wait3A_153, %dma_wait3A_154] : memref<2x256x128xf32, #tpu.memory_space<vmem>> -> memref<1x256x128xf32, #tpu.memory_space<vmem>>
      %dma_wait3A_156 = tpu.memref_squeeze %dma_wait3A_155 : memref<1x256x128xf32, #tpu.memory_space<vmem>> -> memref<256x128xf32, #tpu.memory_space<vmem>>
      %dma_wait3A_157 = arith.constant 0 : i32
      %dma_wait3A_158 = tpu.memref_slice %arg4[%add3A_151, %dma_wait3A_157] : memref<3276800x128xf32, #tpu.memory_space<hbm>> -> memref<256x128xf32, #tpu.memory_space<hbm>>
      %dma_wait3A_159 = arith.constant 0 : i32
      %dma_wait3A_160 = tpu.memref_slice %arg4[%add3A_151, %dma_wait3A_159] : memref<3276800x128xf32, #tpu.memory_space<hbm>> -> memref<256x128xf32, #tpu.memory_space<hbm>>
      %dma_wait3A_161 = arith.constant 0 : i32
      %dma_wait3A_162 = arith.constant 0 : i32
      %dma_wait3A_163 = tpu.memref_slice %arg6[%dma_wait3A_152, %dma_wait3A_161, %dma_wait3A_162] : memref<2x256x128xf32, #tpu.memory_space<vmem>> -> memref<1x256x128xf32, #tpu.memory_space<vmem>>
      %dma_wait3A_164 = tpu.memref_squeeze %dma_wait3A_163 : memref<1x256x128xf32, #tpu.memory_space<vmem>> -> memref<256x128xf32, #tpu.memory_space<vmem>>
      tpu.wait_dma2 semaphore(%arg10 : memref<!tpu.dma_semaphore, #tpu.memory_space<semaphore_mem>>) src(%dma_wait3A_164 : memref<256x128xf32, #tpu.memory_space<vmem>>) dst(%dma_wait3A_160 : memref<256x128xf32, #tpu.memory_space<hbm>>)
    } else {
    }
    %jit3A = arith.constant 0 : i32
    %jit3A_49 = arith.constant 2 : i32
    %div3A = arith.divsi %jit3A, %jit3A_49 : i32
    %sign3A = arith.constant 0 : i32
    %sign3A_50 = arith.cmpi sgt, %jit3A, %sign3A : i32
    %sign3A_51 = arith.extui %sign3A_50 : i1 to i32
    %sign3A_52 = arith.constant 0 : i32
    %sign3A_53 = arith.cmpi slt, %jit3A, %sign3A_52 : i32
    %sign3A_54 = arith.extui %sign3A_53 : i1 to i32
    %sign3A_55 = arith.subi %sign3A_51, %sign3A_54 : i32
    %sign3A_56 = arith.constant 0 : i32
    %sign3A_57 = arith.cmpi sgt, %jit3A_49, %sign3A_56 : i32
    %sign3A_58 = arith.extui %sign3A_57 : i1 to i32
    %sign3A_59 = arith.constant 0 : i32
    %sign3A_60 = arith.cmpi slt, %jit3A_49, %sign3A_59 : i32
    %sign3A_61 = arith.extui %sign3A_60 : i1 to i32
    %sign3A_62 = arith.subi %sign3A_58, %sign3A_61 : i32
    %ne3A = arith.cmpi ne, %sign3A_55, %sign3A_62 : i32
    %rem3A = arith.remsi %jit3A, %jit3A_49 : i32
    %ne3A_63 = arith.constant 0 : i32
    %ne3A_64 = arith.cmpi ne, %rem3A, %ne3A_63 : i32
    %and3A = arith.andi %ne3A, %ne3A_64 : i1
    %sub3A = arith.constant 1 : i32
    %sub3A_65 = arith.subi %div3A, %sub3A : i32
    %select_n3A = arith.select %and3A, %sub3A_65, %div3A : i32
    %mul3A_66 = arith.constant 2 : i32
    %mul3A_67 = arith.muli %select_n3A, %mul3A_66 : i32
    %mul3A_68 = arith.constant 2 : i32
    %mul3A_69 = arith.muli %mul3A_67, %mul3A_68 : i32
    %add3A_70 = arith.addi %mul3A_2, %mul3A_69 : i32
    %dma_wait3A = arith.constant 0 : i32
    %dma_wait3A_71 = arith.constant 0 : i32
    %dma_wait3A_72 = arith.constant 0 : i32
    %dma_wait3A_73 = tpu.memref_slice %arg5[%dma_wait3A, %dma_wait3A_71, %dma_wait3A_72] : memref<2x4x128xi32, #tpu.memory_space<vmem>> -> memref<1x4x128xi32, #tpu.memory_space<vmem>>
    %dma_wait3A_74 = tpu.memref_squeeze %dma_wait3A_73 : memref<1x4x128xi32, #tpu.memory_space<vmem>> -> memref<4x128xi32, #tpu.memory_space<vmem>>
    %dma_wait3A_75 = arith.constant 0 : i32
    %dma_wait3A_76 = tpu.memref_slice %arg2[%add3A_70, %dma_wait3A_75] : memref<25600x128xi32, #tpu.memory_space<hbm>> -> memref<4x128xi32, #tpu.memory_space<hbm>>
    %dma_wait3A_77 = arith.constant 0 : i32
    %dma_wait3A_78 = arith.constant 0 : i32
    %dma_wait3A_79 = tpu.memref_slice %arg5[%dma_wait3A, %dma_wait3A_77, %dma_wait3A_78] : memref<2x4x128xi32, #tpu.memory_space<vmem>> -> memref<1x4x128xi32, #tpu.memory_space<vmem>>
    %dma_wait3A_80 = tpu.memref_squeeze %dma_wait3A_79 : memref<1x4x128xi32, #tpu.memory_space<vmem>> -> memref<4x128xi32, #tpu.memory_space<vmem>>
    %dma_wait3A_81 = arith.constant 0 : i32
    %dma_wait3A_82 = tpu.memref_slice %arg2[%add3A_70, %dma_wait3A_81] : memref<25600x128xi32, #tpu.memory_space<hbm>> -> memref<4x128xi32, #tpu.memory_space<hbm>>
    tpu.wait_dma2 semaphore(%arg8 : memref<!tpu.dma_semaphore, #tpu.memory_space<semaphore_mem>>) src(%dma_wait3A_82 : memref<4x128xi32, #tpu.memory_space<hbm>>) dst(%dma_wait3A_80 : memref<4x128xi32, #tpu.memory_space<vmem>>)
    %dma_start3A_83 = arith.constant 0 : i32
    %dma_start3A_84 = arith.constant 0 : i32
    %dma_start3A_85 = arith.constant 0 : i32
    %dma_start3A_86 = arith.constant 0 : i32
    %dma_start3A_87 = arith.constant 0 : i32
    %dma_start3A_88 = tpu.memref_slice %arg6[%dma_start3A_85, %dma_start3A_86, %dma_start3A_87] : memref<2x256x128xf32, #tpu.memory_space<vmem>> -> memref<1x128x128xf32, #tpu.memory_space<vmem>>
    %dma_start3A_89 = tpu.memref_squeeze %dma_start3A_88 : memref<1x128x128xf32, #tpu.memory_space<vmem>> -> memref<128x128xf32, #tpu.memory_space<vmem>>
    %dma_start3A_90 = arith.constant 0 : i32
    %dma_start3A_91 = tpu.memref_slice %arg5[%dma_start3A_83, %dma_start3A_84, %dma_start3A_90] : memref<2x4x128xi32, #tpu.memory_space<vmem>> -> memref<1x1x128xi32, #tpu.memory_space<vmem>>
    %dma_start3A_92 = tpu.memref_squeeze %dma_start3A_91 : memref<1x1x128xi32, #tpu.memory_space<vmem>> -> memref<128xi32, #tpu.memory_space<vmem>>
    %dma_start3A_93 = arith.constant 0 : i32
    %dma_start3A_94 = arith.constant 0 : i32
    %dma_start3A_95 = tpu.memref_slice %arg7[%dma_start3A_93, %dma_start3A_94] : memref<1024x128xf32, #tpu.memory_space<vmem_shared>> -> memref<1024x128xf32, #tpu.memory_space<vmem_shared>>
    tpu.enqueue_indirect_dma source(%dma_start3A_95 : memref<1024x128xf32, #tpu.memory_space<vmem_shared>>) target(%dma_start3A_89 : memref<128x128xf32, #tpu.memory_space<vmem>>) offsets(%dma_start3A_92 : memref<128xi32, #tpu.memory_space<vmem>>) semaphore(%arg12 : memref<!tpu.dma_semaphore, #tpu.memory_space<semaphore_mem>>)
    %dma_start3A_96 = arith.constant 0 : i32
    %dma_start3A_97 = arith.constant 1 : i32
    %dma_start3A_98 = arith.constant 0 : i32
    %dma_start3A_99 = arith.constant 128 : i32
    %dma_start3A_100 = arith.constant 0 : i32
    %dma_start3A_101 = tpu.memref_slice %arg6[%dma_start3A_98, %dma_start3A_99, %dma_start3A_100] : memref<2x256x128xf32, #tpu.memory_space<vmem>> -> memref<1x128x128xf32, #tpu.memory_space<vmem>>
    %dma_start3A_102 = tpu.memref_squeeze %dma_start3A_101 : memref<1x128x128xf32, #tpu.memory_space<vmem>> -> memref<128x128xf32, #tpu.memory_space<vmem>>
    %dma_start3A_103 = arith.constant 0 : i32
    %dma_start3A_104 = tpu.memref_slice %arg5[%dma_start3A_96, %dma_start3A_97, %dma_start3A_103] : memref<2x4x128xi32, #tpu.memory_space<vmem>> -> memref<1x1x128xi32, #tpu.memory_space<vmem>>
    %dma_start3A_105 = tpu.memref_squeeze %dma_start3A_104 : memref<1x1x128xi32, #tpu.memory_space<vmem>> -> memref<128xi32, #tpu.memory_space<vmem>>
    %dma_start3A_106 = arith.constant 0 : i32
    %dma_start3A_107 = arith.constant 0 : i32
    %dma_start3A_108 = tpu.memref_slice %arg7[%dma_start3A_106, %dma_start3A_107] : memref<1024x128xf32, #tpu.memory_space<vmem_shared>> -> memref<1024x128xf32, #tpu.memory_space<vmem_shared>>
    tpu.enqueue_indirect_dma source(%dma_start3A_108 : memref<1024x128xf32, #tpu.memory_space<vmem_shared>>) target(%dma_start3A_102 : memref<128x128xf32, #tpu.memory_space<vmem>>) offsets(%dma_start3A_105 : memref<128xi32, #tpu.memory_space<vmem>>) semaphore(%arg12 : memref<!tpu.dma_semaphore, #tpu.memory_space<semaphore_mem>>)
    %scan3A = arith.constant 0 : i32
    %scan3A_109 = arith.constant 100 : i32
    %scan3A_110 = arith.addi %scan3A, %scan3A_109 : i32
    %scan3A_111 = arith.constant 1 : i32
    scf.for %scan3A_147 = %scan3A to %scan3A_110 step %scan3A_111  : i32 {
      %mul3A_148 = arith.constant 4 : i32
      %mul3A_149 = arith.muli %scan3A_147, %mul3A_148 : i32
      %add3A_150 = arith.constant 0 : i32
      %add3A_151 = arith.addi %add3A_150, %mul3A_149 : i32
      %add3A_152 = arith.constant 0 : i32
      %add3A_153 = arith.addi %add3A_151, %add3A_152 : i32
      %dma_wait3A_154 = arith.constant 0 : i32
      %dma_wait3A_155 = arith.constant 0 : i32
      %dma_wait3A_156 = arith.constant 0 : i32
      %dma_wait3A_157 = arith.constant 0 : i32
      %dma_wait3A_158 = arith.constant 0 : i32
      %dma_wait3A_159 = tpu.memref_slice %arg6[%dma_wait3A_156, %dma_wait3A_157, %dma_wait3A_158] : memref<2x256x128xf32, #tpu.memory_space<vmem>> -> memref<1x128x128xf32, #tpu.memory_space<vmem>>
      %dma_wait3A_160 = tpu.memref_squeeze %dma_wait3A_159 : memref<1x128x128xf32, #tpu.memory_space<vmem>> -> memref<128x128xf32, #tpu.memory_space<vmem>>
      %dma_wait3A_161 = arith.constant 0 : i32
      %dma_wait3A_162 = tpu.memref_slice %arg5[%dma_wait3A_154, %dma_wait3A_155, %dma_wait3A_161] : memref<2x4x128xi32, #tpu.memory_space<vmem>> -> memref<1x1x128xi32, #tpu.memory_space<vmem>>
      %dma_wait3A_163 = tpu.memref_squeeze %dma_wait3A_162 : memref<1x1x128xi32, #tpu.memory_space<vmem>> -> memref<128xi32, #tpu.memory_space<vmem>>
      %dma_wait3A_164 = arith.constant 0 : i32
      %dma_wait3A_165 = arith.constant 0 : i32
      %dma_wait3A_166 = tpu.memref_slice %arg7[%dma_wait3A_164, %dma_wait3A_165] : memref<1024x128xf32, #tpu.memory_space<vmem_shared>> -> memref<1024x128xf32, #tpu.memory_space<vmem_shared>>
      tpu.wait_indirect_dma semaphore(%arg12 : memref<!tpu.dma_semaphore, #tpu.memory_space<semaphore_mem>>) src(%dma_wait3A_166 : memref<1024x128xf32, #tpu.memory_space<vmem_shared>>) dst(%dma_wait3A_160 : memref<128x128xf32, #tpu.memory_space<vmem>>)
      %dma_wait3A_167 = arith.constant 0 : i32
      %dma_wait3A_168 = arith.constant 1 : i32
      %dma_wait3A_169 = arith.constant 0 : i32
      %dma_wait3A_170 = arith.constant 128 : i32
      %dma_wait3A_171 = arith.constant 0 : i32
      %dma_wait3A_172 = tpu.memref_slice %arg6[%dma_wait3A_169, %dma_wait3A_170, %dma_wait3A_171] : memref<2x256x128xf32, #tpu.memory_space<vmem>> -> memref<1x128x128xf32, #tpu.memory_space<vmem>>
      %dma_wait3A_173 = tpu.memref_squeeze %dma_wait3A_172 : memref<1x128x128xf32, #tpu.memory_space<vmem>> -> memref<128x128xf32, #tpu.memory_space<vmem>>
      %dma_wait3A_174 = arith.constant 0 : i32
      %dma_wait3A_175 = tpu.memref_slice %arg5[%dma_wait3A_167, %dma_wait3A_168, %dma_wait3A_174] : memref<2x4x128xi32, #tpu.memory_space<vmem>> -> memref<1x1x128xi32, #tpu.memory_space<vmem>>
      %dma_wait3A_176 = tpu.memref_squeeze %dma_wait3A_175 : memref<1x1x128xi32, #tpu.memory_space<vmem>> -> memref<128xi32, #tpu.memory_space<vmem>>
      %dma_wait3A_177 = arith.constant 0 : i32
      %dma_wait3A_178 = arith.constant 0 : i32
      %dma_wait3A_179 = tpu.memref_slice %arg7[%dma_wait3A_177, %dma_wait3A_178] : memref<1024x128xf32, #tpu.memory_space<vmem_shared>> -> memref<1024x128xf32, #tpu.memory_space<vmem_shared>>
      tpu.wait_indirect_dma semaphore(%arg12 : memref<!tpu.dma_semaphore, #tpu.memory_space<semaphore_mem>>) src(%dma_wait3A_179 : memref<1024x128xf32, #tpu.memory_space<vmem_shared>>) dst(%dma_wait3A_173 : memref<128x128xf32, #tpu.memory_space<vmem>>)
      %mul3A_180 = arith.constant 256 : i32
      %mul3A_181 = arith.muli %add3A_153, %mul3A_180 : i32
      %add3A_182 = arith.addi %mul3A_4, %mul3A_181 : i32
      %dma_start3A_183 = arith.constant 0 : i32
      %dma_start3A_184 = arith.constant 0 : i32
      %dma_start3A_185 = arith.constant 0 : i32
      %dma_start3A_186 = tpu.memref_slice %arg6[%dma_start3A_183, %dma_start3A_184, %dma_start3A_185] : memref<2x256x128xf32, #tpu.memory_space<vmem>> -> memref<1x256x128xf32, #tpu.memory_space<vmem>>
      %dma_start3A_187 = tpu.memref_squeeze %dma_start3A_186 : memref<1x256x128xf32, #tpu.memory_space<vmem>> -> memref<256x128xf32, #tpu.memory_space<vmem>>
      %dma_start3A_188 = arith.constant 0 : i32
      %dma_start3A_189 = tpu.memref_slice %arg4[%add3A_182, %dma_start3A_188] : memref<3276800x128xf32, #tpu.memory_space<hbm>> -> memref<256x128xf32, #tpu.memory_space<hbm>>
      %dma_start3A_190 = arith.constant 0 : i32
      %dma_start3A_191 = tpu.memref_slice %arg4[%add3A_182, %dma_start3A_190] : memref<3276800x128xf32, #tpu.memory_space<hbm>> -> memref<256x128xf32, #tpu.memory_space<hbm>>
      %dma_start3A_192 = arith.constant 0 : i32
      %dma_start3A_193 = arith.constant 0 : i32
      %dma_start3A_194 = tpu.memref_slice %arg6[%dma_start3A_183, %dma_start3A_192, %dma_start3A_193] : memref<2x256x128xf32, #tpu.memory_space<vmem>> -> memref<1x256x128xf32, #tpu.memory_space<vmem>>
      %dma_start3A_195 = tpu.memref_squeeze %dma_start3A_194 : memref<1x256x128xf32, #tpu.memory_space<vmem>> -> memref<256x128xf32, #tpu.memory_space<vmem>>
      tpu.enqueue_dma source(%dma_start3A_195 : memref<256x128xf32, #tpu.memory_space<vmem>>) target(%dma_start3A_191 : memref<256x128xf32, #tpu.memory_space<hbm>>) target_semaphore(%arg10 : memref<!tpu.dma_semaphore, #tpu.memory_space<semaphore_mem>>)
      %add3A_196 = arith.constant 1 : i32
      %add3A_197 = arith.addi %add3A_153, %add3A_196 : i32
      %lt3A = arith.constant 400 : i32
      %lt3A_198 = arith.cmpi slt, %add3A_197, %lt3A : i32
      %convert_element_type3A_199 = arith.extui %lt3A_198 : i1 to i32
      %cond3A_200 = arith.constant 0 : i32
      %cond3A_201 = arith.cmpi ne, %convert_element_type3A_199, %cond3A_200 : i32
      scf.if %cond3A_201 {
        %add3A_369 = arith.constant 1 : i32
        %add3A_370 = arith.addi %add3A_153, %add3A_369 : i32
        %ge3A_371 = arith.constant 2 : i32
        %ge3A_372 = arith.cmpi sge, %add3A_370, %ge3A_371 : i32
        %convert_element_type3A_373 = arith.extui %ge3A_372 : i1 to i32
        %cond3A_374 = arith.constant 0 : i32
        %cond3A_375 = arith.cmpi ne, %convert_element_type3A_373, %cond3A_374 : i32
        scf.if %cond3A_375 {
          %sub3A_402 = arith.constant 2 : i32
          %sub3A_403 = arith.subi %add3A_370, %sub3A_402 : i32
          %mul3A_404 = arith.constant 256 : i32
          %mul3A_405 = arith.muli %sub3A_403, %mul3A_404 : i32
          %add3A_406 = arith.addi %mul3A_4, %mul3A_405 : i32
          %dma_wait3A_407 = arith.constant 1 : i32
          %dma_wait3A_408 = arith.constant 0 : i32
          %dma_wait3A_409 = arith.constant 0 : i32
          %dma_wait3A_410 = tpu.memref_slice %arg6[%dma_wait3A_407, %dma_wait3A_408, %dma_wait3A_409] : memref<2x256x128xf32, #tpu.memory_space<vmem>> -> memref<1x256x128xf32, #tpu.memory_space<vmem>>
          %dma_wait3A_411 = tpu.memref_squeeze %dma_wait3A_410 : memref<1x256x128xf32, #tpu.memory_space<vmem>> -> memref<256x128xf32, #tpu.memory_space<vmem>>
          %dma_wait3A_412 = arith.constant 0 : i32
          %dma_wait3A_413 = tpu.memref_slice %arg4[%add3A_406, %dma_wait3A_412] : memref<3276800x128xf32, #tpu.memory_space<hbm>> -> memref<256x128xf32, #tpu.memory_space<hbm>>
          %dma_wait3A_414 = arith.constant 0 : i32
          %dma_wait3A_415 = tpu.memref_slice %arg4[%add3A_406, %dma_wait3A_414] : memref<3276800x128xf32, #tpu.memory_space<hbm>> -> memref<256x128xf32, #tpu.memory_space<hbm>>
          %dma_wait3A_416 = arith.constant 0 : i32
          %dma_wait3A_417 = arith.constant 0 : i32
          %dma_wait3A_418 = tpu.memref_slice %arg6[%dma_wait3A_407, %dma_wait3A_416, %dma_wait3A_417] : memref<2x256x128xf32, #tpu.memory_space<vmem>> -> memref<1x256x128xf32, #tpu.memory_space<vmem>>
          %dma_wait3A_419 = tpu.memref_squeeze %dma_wait3A_418 : memref<1x256x128xf32, #tpu.memory_space<vmem>> -> memref<256x128xf32, #tpu.memory_space<vmem>>
          tpu.wait_dma2 semaphore(%arg11 : memref<!tpu.dma_semaphore, #tpu.memory_space<semaphore_mem>>) src(%dma_wait3A_419 : memref<256x128xf32, #tpu.memory_space<vmem>>) dst(%dma_wait3A_415 : memref<256x128xf32, #tpu.memory_space<hbm>>)
        } else {
        }
        %dma_start3A_376 = arith.constant 0 : i32
        %dma_start3A_377 = arith.constant 2 : i32
        %dma_start3A_378 = arith.constant 1 : i32
        %dma_start3A_379 = arith.constant 0 : i32
        %dma_start3A_380 = arith.constant 0 : i32
        %dma_start3A_381 = tpu.memref_slice %arg6[%dma_start3A_378, %dma_start3A_379, %dma_start3A_380] : memref<2x256x128xf32, #tpu.memory_space<vmem>> -> memref<1x128x128xf32, #tpu.memory_space<vmem>>
        %dma_start3A_382 = tpu.memref_squeeze %dma_start3A_381 : memref<1x128x128xf32, #tpu.memory_space<vmem>> -> memref<128x128xf32, #tpu.memory_space<vmem>>
        %dma_start3A_383 = arith.constant 0 : i32
        %dma_start3A_384 = tpu.memref_slice %arg5[%dma_start3A_376, %dma_start3A_377, %dma_start3A_383] : memref<2x4x128xi32, #tpu.memory_space<vmem>> -> memref<1x1x128xi32, #tpu.memory_space<vmem>>
        %dma_start3A_385 = tpu.memref_squeeze %dma_start3A_384 : memref<1x1x128xi32, #tpu.memory_space<vmem>> -> memref<128xi32, #tpu.memory_space<vmem>>
        %dma_start3A_386 = arith.constant 0 : i32
        %dma_start3A_387 = arith.constant 0 : i32
        %dma_start3A_388 = tpu.memref_slice %arg7[%dma_start3A_386, %dma_start3A_387] : memref<1024x128xf32, #tpu.memory_space<vmem_shared>> -> memref<1024x128xf32, #tpu.memory_space<vmem_shared>>
        tpu.enqueue_indirect_dma source(%dma_start3A_388 : memref<1024x128xf32, #tpu.memory_space<vmem_shared>>) target(%dma_start3A_382 : memref<128x128xf32, #tpu.memory_space<vmem>>) offsets(%dma_start3A_385 : memref<128xi32, #tpu.memory_space<vmem>>) semaphore(%arg13 : memref<!tpu.dma_semaphore, #tpu.memory_space<semaphore_mem>>)
        %dma_start3A_389 = arith.constant 0 : i32
        %dma_start3A_390 = arith.constant 3 : i32
        %dma_start3A_391 = arith.constant 1 : i32
        %dma_start3A_392 = arith.constant 128 : i32
        %dma_start3A_393 = arith.constant 0 : i32
        %dma_start3A_394 = tpu.memref_slice %arg6[%dma_start3A_391, %dma_start3A_392, %dma_start3A_393] : memref<2x256x128xf32, #tpu.memory_space<vmem>> -> memref<1x128x128xf32, #tpu.memory_space<vmem>>
        %dma_start3A_395 = tpu.memref_squeeze %dma_start3A_394 : memref<1x128x128xf32, #tpu.memory_space<vmem>> -> memref<128x128xf32, #tpu.memory_space<vmem>>
        %dma_start3A_396 = arith.constant 0 : i32
        %dma_start3A_397 = tpu.memref_slice %arg5[%dma_start3A_389, %dma_start3A_390, %dma_start3A_396] : memref<2x4x128xi32, #tpu.memory_space<vmem>> -> memref<1x1x128xi32, #tpu.memory_space<vmem>>
        %dma_start3A_398 = tpu.memref_squeeze %dma_start3A_397 : memref<1x1x128xi32, #tpu.memory_space<vmem>> -> memref<128xi32, #tpu.memory_space<vmem>>
        %dma_start3A_399 = arith.constant 0 : i32
        %dma_start3A_400 = arith.constant 0 : i32
        %dma_start3A_401 = tpu.memref_slice %arg7[%dma_start3A_399, %dma_start3A_400] : memref<1024x128xf32, #tpu.memory_space<vmem_shared>> -> memref<1024x128xf32, #tpu.memory_space<vmem_shared>>
        tpu.enqueue_indirect_dma source(%dma_start3A_401 : memref<1024x128xf32, #tpu.memory_space<vmem_shared>>) target(%dma_start3A_395 : memref<128x128xf32, #tpu.memory_space<vmem>>) offsets(%dma_start3A_398 : memref<128xi32, #tpu.memory_space<vmem>>) semaphore(%arg13 : memref<!tpu.dma_semaphore, #tpu.memory_space<semaphore_mem>>)
      } else {
      }
      %add3A_202 = arith.constant 1 : i32
      %add3A_203 = arith.addi %add3A_151, %add3A_202 : i32
      %dma_wait3A_204 = arith.constant 0 : i32
      %dma_wait3A_205 = arith.constant 2 : i32
      %dma_wait3A_206 = arith.constant 1 : i32
      %dma_wait3A_207 = arith.constant 0 : i32
      %dma_wait3A_208 = arith.constant 0 : i32
      %dma_wait3A_209 = tpu.memref_slice %arg6[%dma_wait3A_206, %dma_wait3A_207, %dma_wait3A_208] : memref<2x256x128xf32, #tpu.memory_space<vmem>> -> memref<1x128x128xf32, #tpu.memory_space<vmem>>
      %dma_wait3A_210 = tpu.memref_squeeze %dma_wait3A_209 : memref<1x128x128xf32, #tpu.memory_space<vmem>> -> memref<128x128xf32, #tpu.memory_space<vmem>>
      %dma_wait3A_211 = arith.constant 0 : i32
      %dma_wait3A_212 = tpu.memref_slice %arg5[%dma_wait3A_204, %dma_wait3A_205, %dma_wait3A_211] : memref<2x4x128xi32, #tpu.memory_space<vmem>> -> memref<1x1x128xi32, #tpu.memory_space<vmem>>
      %dma_wait3A_213 = tpu.memref_squeeze %dma_wait3A_212 : memref<1x1x128xi32, #tpu.memory_space<vmem>> -> memref<128xi32, #tpu.memory_space<vmem>>
      %dma_wait3A_214 = arith.constant 0 : i32
      %dma_wait3A_215 = arith.constant 0 : i32
      %dma_wait3A_216 = tpu.memref_slice %arg7[%dma_wait3A_214, %dma_wait3A_215] : memref<1024x128xf32, #tpu.memory_space<vmem_shared>> -> memref<1024x128xf32, #tpu.memory_space<vmem_shared>>
      tpu.wait_indirect_dma semaphore(%arg13 : memref<!tpu.dma_semaphore, #tpu.memory_space<semaphore_mem>>) src(%dma_wait3A_216 : memref<1024x128xf32, #tpu.memory_space<vmem_shared>>) dst(%dma_wait3A_210 : memref<128x128xf32, #tpu.memory_space<vmem>>)
      %dma_wait3A_217 = arith.constant 0 : i32
      %dma_wait3A_218 = arith.constant 3 : i32
      %dma_wait3A_219 = arith.constant 1 : i32
      %dma_wait3A_220 = arith.constant 128 : i32
      %dma_wait3A_221 = arith.constant 0 : i32
      %dma_wait3A_222 = tpu.memref_slice %arg6[%dma_wait3A_219, %dma_wait3A_220, %dma_wait3A_221] : memref<2x256x128xf32, #tpu.memory_space<vmem>> -> memref<1x128x128xf32, #tpu.memory_space<vmem>>
      %dma_wait3A_223 = tpu.memref_squeeze %dma_wait3A_222 : memref<1x128x128xf32, #tpu.memory_space<vmem>> -> memref<128x128xf32, #tpu.memory_space<vmem>>
      %dma_wait3A_224 = arith.constant 0 : i32
      %dma_wait3A_225 = tpu.memref_slice %arg5[%dma_wait3A_217, %dma_wait3A_218, %dma_wait3A_224] : memref<2x4x128xi32, #tpu.memory_space<vmem>> -> memref<1x1x128xi32, #tpu.memory_space<vmem>>
      %dma_wait3A_226 = tpu.memref_squeeze %dma_wait3A_225 : memref<1x1x128xi32, #tpu.memory_space<vmem>> -> memref<128xi32, #tpu.memory_space<vmem>>
      %dma_wait3A_227 = arith.constant 0 : i32
      %dma_wait3A_228 = arith.constant 0 : i32
      %dma_wait3A_229 = tpu.memref_slice %arg7[%dma_wait3A_227, %dma_wait3A_228] : memref<1024x128xf32, #tpu.memory_space<vmem_shared>> -> memref<1024x128xf32, #tpu.memory_space<vmem_shared>>
      tpu.wait_indirect_dma semaphore(%arg13 : memref<!tpu.dma_semaphore, #tpu.memory_space<semaphore_mem>>) src(%dma_wait3A_229 : memref<1024x128xf32, #tpu.memory_space<vmem_shared>>) dst(%dma_wait3A_223 : memref<128x128xf32, #tpu.memory_space<vmem>>)
      %mul3A_230 = arith.constant 256 : i32
      %mul3A_231 = arith.muli %add3A_203, %mul3A_230 : i32
      %add3A_232 = arith.addi %mul3A_4, %mul3A_231 : i32
      %dma_start3A_233 = arith.constant 1 : i32
      %dma_start3A_234 = arith.constant 0 : i32
      %dma_start3A_235 = arith.constant 0 : i32
      %dma_start3A_236 = tpu.memref_slice %arg6[%dma_start3A_233, %dma_start3A_234, %dma_start3A_235] : memref<2x256x128xf32, #tpu.memory_space<vmem>> -> memref<1x256x128xf32, #tpu.memory_space<vmem>>
      %dma_start3A_237 = tpu.memref_squeeze %dma_start3A_236 : memref<1x256x128xf32, #tpu.memory_space<vmem>> -> memref<256x128xf32, #tpu.memory_space<vmem>>
      %dma_start3A_238 = arith.constant 0 : i32
      %dma_start3A_239 = tpu.memref_slice %arg4[%add3A_232, %dma_start3A_238] : memref<3276800x128xf32, #tpu.memory_space<hbm>> -> memref<256x128xf32, #tpu.memory_space<hbm>>
      %dma_start3A_240 = arith.constant 0 : i32
      %dma_start3A_241 = tpu.memref_slice %arg4[%add3A_232, %dma_start3A_240] : memref<3276800x128xf32, #tpu.memory_space<hbm>> -> memref<256x128xf32, #tpu.memory_space<hbm>>
      %dma_start3A_242 = arith.constant 0 : i32
      %dma_start3A_243 = arith.constant 0 : i32
      %dma_start3A_244 = tpu.memref_slice %arg6[%dma_start3A_233, %dma_start3A_242, %dma_start3A_243] : memref<2x256x128xf32, #tpu.memory_space<vmem>> -> memref<1x256x128xf32, #tpu.memory_space<vmem>>
      %dma_start3A_245 = tpu.memref_squeeze %dma_start3A_244 : memref<1x256x128xf32, #tpu.memory_space<vmem>> -> memref<256x128xf32, #tpu.memory_space<vmem>>
      tpu.enqueue_dma source(%dma_start3A_245 : memref<256x128xf32, #tpu.memory_space<vmem>>) target(%dma_start3A_241 : memref<256x128xf32, #tpu.memory_space<hbm>>) target_semaphore(%arg11 : memref<!tpu.dma_semaphore, #tpu.memory_space<semaphore_mem>>)
      %add3A_246 = arith.constant 4 : i32
      %add3A_247 = arith.addi %add3A_203, %add3A_246 : i32
      %lt3A_248 = arith.constant 400 : i32
      %lt3A_249 = arith.cmpi slt, %add3A_247, %lt3A_248 : i32
      %convert_element_type3A_250 = arith.extui %lt3A_249 : i1 to i32
      %cond3A_251 = arith.constant 0 : i32
      %cond3A_252 = arith.cmpi ne, %convert_element_type3A_250, %cond3A_251 : i32
      scf.if %cond3A_252 {
        %jit3A_369 = arith.constant 2 : i32
        %div3A_370 = arith.divsi %add3A_203, %jit3A_369 : i32
        %sign3A_371 = arith.constant 0 : i32
        %sign3A_372 = arith.cmpi sgt, %add3A_203, %sign3A_371 : i32
        %sign3A_373 = arith.extui %sign3A_372 : i1 to i32
        %sign3A_374 = arith.constant 0 : i32
        %sign3A_375 = arith.cmpi slt, %add3A_203, %sign3A_374 : i32
        %sign3A_376 = arith.extui %sign3A_375 : i1 to i32
        %sign3A_377 = arith.subi %sign3A_373, %sign3A_376 : i32
        %sign3A_378 = arith.constant 0 : i32
        %sign3A_379 = arith.cmpi sgt, %jit3A_369, %sign3A_378 : i32
        %sign3A_380 = arith.extui %sign3A_379 : i1 to i32
        %sign3A_381 = arith.constant 0 : i32
        %sign3A_382 = arith.cmpi slt, %jit3A_369, %sign3A_381 : i32
        %sign3A_383 = arith.extui %sign3A_382 : i1 to i32
        %sign3A_384 = arith.subi %sign3A_380, %sign3A_383 : i32
        %ne3A_385 = arith.cmpi ne, %sign3A_377, %sign3A_384 : i32
        %rem3A_386 = arith.remsi %add3A_203, %jit3A_369 : i32
        %ne3A_387 = arith.constant 0 : i32
        %ne3A_388 = arith.cmpi ne, %rem3A_386, %ne3A_387 : i32
        %and3A_389 = arith.andi %ne3A_385, %ne3A_388 : i1
        %sub3A_390 = arith.constant 1 : i32
        %sub3A_391 = arith.subi %div3A_370, %sub3A_390 : i32
        %select_n3A_392 = arith.select %and3A_389, %sub3A_391, %div3A_370 : i32
        %add3A_393 = arith.constant 2 : i32
        %add3A_394 = arith.addi %select_n3A_392, %add3A_393 : i32
        %mul3A_395 = arith.constant 2 : i32
        %mul3A_396 = arith.muli %add3A_394, %mul3A_395 : i32
        %mul3A_397 = arith.constant 2 : i32
        %mul3A_398 = arith.muli %mul3A_396, %mul3A_397 : i32
        %add3A_399 = arith.addi %mul3A_2, %mul3A_398 : i32
        %dma_start3A_400 = arith.constant 0 : i32
        %dma_start3A_401 = arith.constant 0 : i32
        %dma_start3A_402 = arith.constant 0 : i32
        %dma_start3A_403 = tpu.memref_slice %arg5[%dma_start3A_400, %dma_start3A_401, %dma_start3A_402] : memref<2x4x128xi32, #tpu.memory_space<vmem>> -> memref<1x4x128xi32, #tpu.memory_space<vmem>>
        %dma_start3A_404 = tpu.memref_squeeze %dma_start3A_403 : memref<1x4x128xi32, #tpu.memory_space<vmem>> -> memref<4x128xi32, #tpu.memory_space<vmem>>
        %dma_start3A_405 = arith.constant 0 : i32
        %dma_start3A_406 = tpu.memref_slice %arg2[%add3A_399, %dma_start3A_405] : memref<25600x128xi32, #tpu.memory_space<hbm>> -> memref<4x128xi32, #tpu.memory_space<hbm>>
        %dma_start3A_407 = arith.constant 0 : i32
        %dma_start3A_408 = arith.constant 0 : i32
        %dma_start3A_409 = tpu.memref_slice %arg5[%dma_start3A_400, %dma_start3A_407, %dma_start3A_408] : memref<2x4x128xi32, #tpu.memory_space<vmem>> -> memref<1x4x128xi32, #tpu.memory_space<vmem>>
        %dma_start3A_410 = tpu.memref_squeeze %dma_start3A_409 : memref<1x4x128xi32, #tpu.memory_space<vmem>> -> memref<4x128xi32, #tpu.memory_space<vmem>>
        %dma_start3A_411 = arith.constant 0 : i32
        %dma_start3A_412 = tpu.memref_slice %arg2[%add3A_399, %dma_start3A_411] : memref<25600x128xi32, #tpu.memory_space<hbm>> -> memref<4x128xi32, #tpu.memory_space<hbm>>
        tpu.enqueue_dma source(%dma_start3A_412 : memref<4x128xi32, #tpu.memory_space<hbm>>) target(%dma_start3A_410 : memref<4x128xi32, #tpu.memory_space<vmem>>) target_semaphore(%arg8 : memref<!tpu.dma_semaphore, #tpu.memory_space<semaphore_mem>>)
      } else {
      }
      %add3A_253 = arith.constant 1 : i32
      %add3A_254 = arith.addi %add3A_203, %add3A_253 : i32
      %lt3A_255 = arith.constant 400 : i32
      %lt3A_256 = arith.cmpi slt, %add3A_254, %lt3A_255 : i32
      %convert_element_type3A_257 = arith.extui %lt3A_256 : i1 to i32
      %cond3A_258 = arith.constant 0 : i32
      %cond3A_259 = arith.cmpi ne, %convert_element_type3A_257, %cond3A_258 : i32
      scf.if %cond3A_259 {
        %add3A_369 = arith.constant 1 : i32
        %add3A_370 = arith.addi %add3A_203, %add3A_369 : i32
        %ge3A_371 = arith.constant 2 : i32
        %ge3A_372 = arith.cmpi sge, %add3A_370, %ge3A_371 : i32
        %convert_element_type3A_373 = arith.extui %ge3A_372 : i1 to i32
        %cond3A_374 = arith.constant 0 : i32
        %cond3A_375 = arith.cmpi ne, %convert_element_type3A_373, %cond3A_374 : i32
        scf.if %cond3A_375 {
          %sub3A_444 = arith.constant 2 : i32
          %sub3A_445 = arith.subi %add3A_370, %sub3A_444 : i32
          %mul3A_446 = arith.constant 256 : i32
          %mul3A_447 = arith.muli %sub3A_445, %mul3A_446 : i32
          %add3A_448 = arith.addi %mul3A_4, %mul3A_447 : i32
          %dma_wait3A_449 = arith.constant 0 : i32
          %dma_wait3A_450 = arith.constant 0 : i32
          %dma_wait3A_451 = arith.constant 0 : i32
          %dma_wait3A_452 = tpu.memref_slice %arg6[%dma_wait3A_449, %dma_wait3A_450, %dma_wait3A_451] : memref<2x256x128xf32, #tpu.memory_space<vmem>> -> memref<1x256x128xf32, #tpu.memory_space<vmem>>
          %dma_wait3A_453 = tpu.memref_squeeze %dma_wait3A_452 : memref<1x256x128xf32, #tpu.memory_space<vmem>> -> memref<256x128xf32, #tpu.memory_space<vmem>>
          %dma_wait3A_454 = arith.constant 0 : i32
          %dma_wait3A_455 = tpu.memref_slice %arg4[%add3A_448, %dma_wait3A_454] : memref<3276800x128xf32, #tpu.memory_space<hbm>> -> memref<256x128xf32, #tpu.memory_space<hbm>>
          %dma_wait3A_456 = arith.constant 0 : i32
          %dma_wait3A_457 = tpu.memref_slice %arg4[%add3A_448, %dma_wait3A_456] : memref<3276800x128xf32, #tpu.memory_space<hbm>> -> memref<256x128xf32, #tpu.memory_space<hbm>>
          %dma_wait3A_458 = arith.constant 0 : i32
          %dma_wait3A_459 = arith.constant 0 : i32
          %dma_wait3A_460 = tpu.memref_slice %arg6[%dma_wait3A_449, %dma_wait3A_458, %dma_wait3A_459] : memref<2x256x128xf32, #tpu.memory_space<vmem>> -> memref<1x256x128xf32, #tpu.memory_space<vmem>>
          %dma_wait3A_461 = tpu.memref_squeeze %dma_wait3A_460 : memref<1x256x128xf32, #tpu.memory_space<vmem>> -> memref<256x128xf32, #tpu.memory_space<vmem>>
          tpu.wait_dma2 semaphore(%arg10 : memref<!tpu.dma_semaphore, #tpu.memory_space<semaphore_mem>>) src(%dma_wait3A_461 : memref<256x128xf32, #tpu.memory_space<vmem>>) dst(%dma_wait3A_457 : memref<256x128xf32, #tpu.memory_space<hbm>>)
        } else {
        }
        %jit3A_376 = arith.constant 2 : i32
        %div3A_377 = arith.divsi %add3A_370, %jit3A_376 : i32
        %sign3A_378 = arith.constant 0 : i32
        %sign3A_379 = arith.cmpi sgt, %add3A_370, %sign3A_378 : i32
        %sign3A_380 = arith.extui %sign3A_379 : i1 to i32
        %sign3A_381 = arith.constant 0 : i32
        %sign3A_382 = arith.cmpi slt, %add3A_370, %sign3A_381 : i32
        %sign3A_383 = arith.extui %sign3A_382 : i1 to i32
        %sign3A_384 = arith.subi %sign3A_380, %sign3A_383 : i32
        %sign3A_385 = arith.constant 0 : i32
        %sign3A_386 = arith.cmpi sgt, %jit3A_376, %sign3A_385 : i32
        %sign3A_387 = arith.extui %sign3A_386 : i1 to i32
        %sign3A_388 = arith.constant 0 : i32
        %sign3A_389 = arith.cmpi slt, %jit3A_376, %sign3A_388 : i32
        %sign3A_390 = arith.extui %sign3A_389 : i1 to i32
        %sign3A_391 = arith.subi %sign3A_387, %sign3A_390 : i32
        %ne3A_392 = arith.cmpi ne, %sign3A_384, %sign3A_391 : i32
        %rem3A_393 = arith.remsi %add3A_370, %jit3A_376 : i32
        %ne3A_394 = arith.constant 0 : i32
        %ne3A_395 = arith.cmpi ne, %rem3A_393, %ne3A_394 : i32
        %and3A_396 = arith.andi %ne3A_392, %ne3A_395 : i1
        %sub3A_397 = arith.constant 1 : i32
        %sub3A_398 = arith.subi %div3A_377, %sub3A_397 : i32
        %select_n3A_399 = arith.select %and3A_396, %sub3A_398, %div3A_377 : i32
        %mul3A_400 = arith.constant 2 : i32
        %mul3A_401 = arith.muli %select_n3A_399, %mul3A_400 : i32
        %mul3A_402 = arith.constant 2 : i32
        %mul3A_403 = arith.muli %mul3A_401, %mul3A_402 : i32
        %add3A_404 = arith.addi %mul3A_2, %mul3A_403 : i32
        %dma_wait3A_405 = arith.constant 1 : i32
        %dma_wait3A_406 = arith.constant 0 : i32
        %dma_wait3A_407 = arith.constant 0 : i32
        %dma_wait3A_408 = tpu.memref_slice %arg5[%dma_wait3A_405, %dma_wait3A_406, %dma_wait3A_407] : memref<2x4x128xi32, #tpu.memory_space<vmem>> -> memref<1x4x128xi32, #tpu.memory_space<vmem>>
        %dma_wait3A_409 = tpu.memref_squeeze %dma_wait3A_408 : memref<1x4x128xi32, #tpu.memory_space<vmem>> -> memref<4x128xi32, #tpu.memory_space<vmem>>
        %dma_wait3A_410 = arith.constant 0 : i32
        %dma_wait3A_411 = tpu.memref_slice %arg2[%add3A_404, %dma_wait3A_410] : memref<25600x128xi32, #tpu.memory_space<hbm>> -> memref<4x128xi32, #tpu.memory_space<hbm>>
        %dma_wait3A_412 = arith.constant 0 : i32
        %dma_wait3A_413 = arith.constant 0 : i32
        %dma_wait3A_414 = tpu.memref_slice %arg5[%dma_wait3A_405, %dma_wait3A_412, %dma_wait3A_413] : memref<2x4x128xi32, #tpu.memory_space<vmem>> -> memref<1x4x128xi32, #tpu.memory_space<vmem>>
        %dma_wait3A_415 = tpu.memref_squeeze %dma_wait3A_414 : memref<1x4x128xi32, #tpu.memory_space<vmem>> -> memref<4x128xi32, #tpu.memory_space<vmem>>
        %dma_wait3A_416 = arith.constant 0 : i32
        %dma_wait3A_417 = tpu.memref_slice %arg2[%add3A_404, %dma_wait3A_416] : memref<25600x128xi32, #tpu.memory_space<hbm>> -> memref<4x128xi32, #tpu.memory_space<hbm>>
        tpu.wait_dma2 semaphore(%arg9 : memref<!tpu.dma_semaphore, #tpu.memory_space<semaphore_mem>>) src(%dma_wait3A_417 : memref<4x128xi32, #tpu.memory_space<hbm>>) dst(%dma_wait3A_415 : memref<4x128xi32, #tpu.memory_space<vmem>>)
        %dma_start3A_418 = arith.constant 1 : i32
        %dma_start3A_419 = arith.constant 0 : i32
        %dma_start3A_420 = arith.constant 0 : i32
        %dma_start3A_421 = arith.constant 0 : i32
        %dma_start3A_422 = arith.constant 0 : i32
        %dma_start3A_423 = tpu.memref_slice %arg6[%dma_start3A_420, %dma_start3A_421, %dma_start3A_422] : memref<2x256x128xf32, #tpu.memory_space<vmem>> -> memref<1x128x128xf32, #tpu.memory_space<vmem>>
        %dma_start3A_424 = tpu.memref_squeeze %dma_start3A_423 : memref<1x128x128xf32, #tpu.memory_space<vmem>> -> memref<128x128xf32, #tpu.memory_space<vmem>>
        %dma_start3A_425 = arith.constant 0 : i32
        %dma_start3A_426 = tpu.memref_slice %arg5[%dma_start3A_418, %dma_start3A_419, %dma_start3A_425] : memref<2x4x128xi32, #tpu.memory_space<vmem>> -> memref<1x1x128xi32, #tpu.memory_space<vmem>>
        %dma_start3A_427 = tpu.memref_squeeze %dma_start3A_426 : memref<1x1x128xi32, #tpu.memory_space<vmem>> -> memref<128xi32, #tpu.memory_space<vmem>>
        %dma_start3A_428 = arith.constant 0 : i32
        %dma_start3A_429 = arith.constant 0 : i32
        %dma_start3A_430 = tpu.memref_slice %arg7[%dma_start3A_428, %dma_start3A_429] : memref<1024x128xf32, #tpu.memory_space<vmem_shared>> -> memref<1024x128xf32, #tpu.memory_space<vmem_shared>>
        tpu.enqueue_indirect_dma source(%dma_start3A_430 : memref<1024x128xf32, #tpu.memory_space<vmem_shared>>) target(%dma_start3A_424 : memref<128x128xf32, #tpu.memory_space<vmem>>) offsets(%dma_start3A_427 : memref<128xi32, #tpu.memory_space<vmem>>) semaphore(%arg12 : memref<!tpu.dma_semaphore, #tpu.memory_space<semaphore_mem>>)
        %dma_start3A_431 = arith.constant 1 : i32
        %dma_start3A_432 = arith.constant 1 : i32
        %dma_start3A_433 = arith.constant 0 : i32
        %dma_start3A_434 = arith.constant 128 : i32
        %dma_start3A_435 = arith.constant 0 : i32
        %dma_start3A_436 = tpu.memref_slice %arg6[%dma_start3A_433, %dma_start3A_434, %dma_start3A_435] : memref<2x256x128xf32, #tpu.memory_space<vmem>> -> memref<1x128x128xf32, #tpu.memory_space<vmem>>
        %dma_start3A_437 = tpu.memref_squeeze %dma_start3A_436 : memref<1x128x128xf32, #tpu.memory_space<vmem>> -> memref<128x128xf32, #tpu.memory_space<vmem>>
        %dma_start3A_438 = arith.constant 0 : i32
        %dma_start3A_439 = tpu.memref_slice %arg5[%dma_start3A_431, %dma_start3A_432, %dma_start3A_438] : memref<2x4x128xi32, #tpu.memory_space<vmem>> -> memref<1x1x128xi32, #tpu.memory_space<vmem>>
        %dma_start3A_440 = tpu.memref_squeeze %dma_start3A_439 : memref<1x1x128xi32, #tpu.memory_space<vmem>> -> memref<128xi32, #tpu.memory_space<vmem>>
        %dma_start3A_441 = arith.constant 0 : i32
        %dma_start3A_442 = arith.constant 0 : i32
        %dma_start3A_443 = tpu.memref_slice %arg7[%dma_start3A_441, %dma_start3A_442] : memref<1024x128xf32, #tpu.memory_space<vmem_shared>> -> memref<1024x128xf32, #tpu.memory_space<vmem_shared>>
        tpu.enqueue_indirect_dma source(%dma_start3A_443 : memref<1024x128xf32, #tpu.memory_space<vmem_shared>>) target(%dma_start3A_437 : memref<128x128xf32, #tpu.memory_space<vmem>>) offsets(%dma_start3A_440 : memref<128xi32, #tpu.memory_space<vmem>>) semaphore(%arg12 : memref<!tpu.dma_semaphore, #tpu.memory_space<semaphore_mem>>)
      } else {
      }
      %add3A_260 = arith.constant 2 : i32
      %add3A_261 = arith.addi %add3A_151, %add3A_260 : i32
      %dma_wait3A_262 = arith.constant 1 : i32
      %dma_wait3A_263 = arith.constant 0 : i32
      %dma_wait3A_264 = arith.constant 0 : i32
      %dma_wait3A_265 = arith.constant 0 : i32
      %dma_wait3A_266 = arith.constant 0 : i32
      %dma_wait3A_267 = tpu.memref_slice %arg6[%dma_wait3A_264, %dma_wait3A_265, %dma_wait3A_266] : memref<2x256x128xf32, #tpu.memory_space<vmem>> -> memref<1x128x128xf32, #tpu.memory_space<vmem>>
      %dma_wait3A_268 = tpu.memref_squeeze %dma_wait3A_267 : memref<1x128x128xf32, #tpu.memory_space<vmem>> -> memref<128x128xf32, #tpu.memory_space<vmem>>
      %dma_wait3A_269 = arith.constant 0 : i32
      %dma_wait3A_270 = tpu.memref_slice %arg5[%dma_wait3A_262, %dma_wait3A_263, %dma_wait3A_269] : memref<2x4x128xi32, #tpu.memory_space<vmem>> -> memref<1x1x128xi32, #tpu.memory_space<vmem>>
      %dma_wait3A_271 = tpu.memref_squeeze %dma_wait3A_270 : memref<1x1x128xi32, #tpu.memory_space<vmem>> -> memref<128xi32, #tpu.memory_space<vmem>>
      %dma_wait3A_272 = arith.constant 0 : i32
      %dma_wait3A_273 = arith.constant 0 : i32
      %dma_wait3A_274 = tpu.memref_slice %arg7[%dma_wait3A_272, %dma_wait3A_273] : memref<1024x128xf32, #tpu.memory_space<vmem_shared>> -> memref<1024x128xf32, #tpu.memory_space<vmem_shared>>
      tpu.wait_indirect_dma semaphore(%arg12 : memref<!tpu.dma_semaphore, #tpu.memory_space<semaphore_mem>>) src(%dma_wait3A_274 : memref<1024x128xf32, #tpu.memory_space<vmem_shared>>) dst(%dma_wait3A_268 : memref<128x128xf32, #tpu.memory_space<vmem>>)
      %dma_wait3A_275 = arith.constant 1 : i32
      %dma_wait3A_276 = arith.constant 1 : i32
      %dma_wait3A_277 = arith.constant 0 : i32
      %dma_wait3A_278 = arith.constant 128 : i32
      %dma_wait3A_279 = arith.constant 0 : i32
      %dma_wait3A_280 = tpu.memref_slice %arg6[%dma_wait3A_277, %dma_wait3A_278, %dma_wait3A_279] : memref<2x256x128xf32, #tpu.memory_space<vmem>> -> memref<1x128x128xf32, #tpu.memory_space<vmem>>
      %dma_wait3A_281 = tpu.memref_squeeze %dma_wait3A_280 : memref<1x128x128xf32, #tpu.memory_space<vmem>> -> memref<128x128xf32, #tpu.memory_space<vmem>>
      %dma_wait3A_282 = arith.constant 0 : i32
      %dma_wait3A_283 = tpu.memref_slice %arg5[%dma_wait3A_275, %dma_wait3A_276, %dma_wait3A_282] : memref<2x4x128xi32, #tpu.memory_space<vmem>> -> memref<1x1x128xi32, #tpu.memory_space<vmem>>
      %dma_wait3A_284 = tpu.memref_squeeze %dma_wait3A_283 : memref<1x1x128xi32, #tpu.memory_space<vmem>> -> memref<128xi32, #tpu.memory_space<vmem>>
      %dma_wait3A_285 = arith.constant 0 : i32
      %dma_wait3A_286 = arith.constant 0 : i32
      %dma_wait3A_287 = tpu.memref_slice %arg7[%dma_wait3A_285, %dma_wait3A_286] : memref<1024x128xf32, #tpu.memory_space<vmem_shared>> -> memref<1024x128xf32, #tpu.memory_space<vmem_shared>>
      tpu.wait_indirect_dma semaphore(%arg12 : memref<!tpu.dma_semaphore, #tpu.memory_space<semaphore_mem>>) src(%dma_wait3A_287 : memref<1024x128xf32, #tpu.memory_space<vmem_shared>>) dst(%dma_wait3A_281 : memref<128x128xf32, #tpu.memory_space<vmem>>)
      %mul3A_288 = arith.constant 256 : i32
      %mul3A_289 = arith.muli %add3A_261, %mul3A_288 : i32
      %add3A_290 = arith.addi %mul3A_4, %mul3A_289 : i32
      %dma_start3A_291 = arith.constant 0 : i32
      %dma_start3A_292 = arith.constant 0 : i32
      %dma_start3A_293 = arith.constant 0 : i32
      %dma_start3A_294 = tpu.memref_slice %arg6[%dma_start3A_291, %dma_start3A_292, %dma_start3A_293] : memref<2x256x128xf32, #tpu.memory_space<vmem>> -> memref<1x256x128xf32, #tpu.memory_space<vmem>>
      %dma_start3A_295 = tpu.memref_squeeze %dma_start3A_294 : memref<1x256x128xf32, #tpu.memory_space<vmem>> -> memref<256x128xf32, #tpu.memory_space<vmem>>
      %dma_start3A_296 = arith.constant 0 : i32
      %dma_start3A_297 = tpu.memref_slice %arg4[%add3A_290, %dma_start3A_296] : memref<3276800x128xf32, #tpu.memory_space<hbm>> -> memref<256x128xf32, #tpu.memory_space<hbm>>
      %dma_start3A_298 = arith.constant 0 : i32
      %dma_start3A_299 = tpu.memref_slice %arg4[%add3A_290, %dma_start3A_298] : memref<3276800x128xf32, #tpu.memory_space<hbm>> -> memref<256x128xf32, #tpu.memory_space<hbm>>
      %dma_start3A_300 = arith.constant 0 : i32
      %dma_start3A_301 = arith.constant 0 : i32
      %dma_start3A_302 = tpu.memref_slice %arg6[%dma_start3A_291, %dma_start3A_300, %dma_start3A_301] : memref<2x256x128xf32, #tpu.memory_space<vmem>> -> memref<1x256x128xf32, #tpu.memory_space<vmem>>
      %dma_start3A_303 = tpu.memref_squeeze %dma_start3A_302 : memref<1x256x128xf32, #tpu.memory_space<vmem>> -> memref<256x128xf32, #tpu.memory_space<vmem>>
      tpu.enqueue_dma source(%dma_start3A_303 : memref<256x128xf32, #tpu.memory_space<vmem>>) target(%dma_start3A_299 : memref<256x128xf32, #tpu.memory_space<hbm>>) target_semaphore(%arg10 : memref<!tpu.dma_semaphore, #tpu.memory_space<semaphore_mem>>)
      %add3A_304 = arith.constant 1 : i32
      %add3A_305 = arith.addi %add3A_261, %add3A_304 : i32
      %lt3A_306 = arith.constant 400 : i32
      %lt3A_307 = arith.cmpi slt, %add3A_305, %lt3A_306 : i32
      %convert_element_type3A_308 = arith.extui %lt3A_307 : i1 to i32
      %cond3A_309 = arith.constant 0 : i32
      %cond3A_310 = arith.cmpi ne, %convert_element_type3A_308, %cond3A_309 : i32
      scf.if %cond3A_310 {
        %add3A_369 = arith.constant 1 : i32
        %add3A_370 = arith.addi %add3A_261, %add3A_369 : i32
        %ge3A_371 = arith.constant 2 : i32
        %ge3A_372 = arith.cmpi sge, %add3A_370, %ge3A_371 : i32
        %convert_element_type3A_373 = arith.extui %ge3A_372 : i1 to i32
        %cond3A_374 = arith.constant 0 : i32
        %cond3A_375 = arith.cmpi ne, %convert_element_type3A_373, %cond3A_374 : i32
        scf.if %cond3A_375 {
          %sub3A_402 = arith.constant 2 : i32
          %sub3A_403 = arith.subi %add3A_370, %sub3A_402 : i32
          %mul3A_404 = arith.constant 256 : i32
          %mul3A_405 = arith.muli %sub3A_403, %mul3A_404 : i32
          %add3A_406 = arith.addi %mul3A_4, %mul3A_405 : i32
          %dma_wait3A_407 = arith.constant 1 : i32
          %dma_wait3A_408 = arith.constant 0 : i32
          %dma_wait3A_409 = arith.constant 0 : i32
          %dma_wait3A_410 = tpu.memref_slice %arg6[%dma_wait3A_407, %dma_wait3A_408, %dma_wait3A_409] : memref<2x256x128xf32, #tpu.memory_space<vmem>> -> memref<1x256x128xf32, #tpu.memory_space<vmem>>
          %dma_wait3A_411 = tpu.memref_squeeze %dma_wait3A_410 : memref<1x256x128xf32, #tpu.memory_space<vmem>> -> memref<256x128xf32, #tpu.memory_space<vmem>>
          %dma_wait3A_412 = arith.constant 0 : i32
          %dma_wait3A_413 = tpu.memref_slice %arg4[%add3A_406, %dma_wait3A_412] : memref<3276800x128xf32, #tpu.memory_space<hbm>> -> memref<256x128xf32, #tpu.memory_space<hbm>>
          %dma_wait3A_414 = arith.constant 0 : i32
          %dma_wait3A_415 = tpu.memref_slice %arg4[%add3A_406, %dma_wait3A_414] : memref<3276800x128xf32, #tpu.memory_space<hbm>> -> memref<256x128xf32, #tpu.memory_space<hbm>>
          %dma_wait3A_416 = arith.constant 0 : i32
          %dma_wait3A_417 = arith.constant 0 : i32
          %dma_wait3A_418 = tpu.memref_slice %arg6[%dma_wait3A_407, %dma_wait3A_416, %dma_wait3A_417] : memref<2x256x128xf32, #tpu.memory_space<vmem>> -> memref<1x256x128xf32, #tpu.memory_space<vmem>>
          %dma_wait3A_419 = tpu.memref_squeeze %dma_wait3A_418 : memref<1x256x128xf32, #tpu.memory_space<vmem>> -> memref<256x128xf32, #tpu.memory_space<vmem>>
          tpu.wait_dma2 semaphore(%arg11 : memref<!tpu.dma_semaphore, #tpu.memory_space<semaphore_mem>>) src(%dma_wait3A_419 : memref<256x128xf32, #tpu.memory_space<vmem>>) dst(%dma_wait3A_415 : memref<256x128xf32, #tpu.memory_space<hbm>>)
        } else {
        }
        %dma_start3A_376 = arith.constant 1 : i32
        %dma_start3A_377 = arith.constant 2 : i32
        %dma_start3A_378 = arith.constant 1 : i32
        %dma_start3A_379 = arith.constant 0 : i32
        %dma_start3A_380 = arith.constant 0 : i32
        %dma_start3A_381 = tpu.memref_slice %arg6[%dma_start3A_378, %dma_start3A_379, %dma_start3A_380] : memref<2x256x128xf32, #tpu.memory_space<vmem>> -> memref<1x128x128xf32, #tpu.memory_space<vmem>>
        %dma_start3A_382 = tpu.memref_squeeze %dma_start3A_381 : memref<1x128x128xf32, #tpu.memory_space<vmem>> -> memref<128x128xf32, #tpu.memory_space<vmem>>
        %dma_start3A_383 = arith.constant 0 : i32
        %dma_start3A_384 = tpu.memref_slice %arg5[%dma_start3A_376, %dma_start3A_377, %dma_start3A_383] : memref<2x4x128xi32, #tpu.memory_space<vmem>> -> memref<1x1x128xi32, #tpu.memory_space<vmem>>
        %dma_start3A_385 = tpu.memref_squeeze %dma_start3A_384 : memref<1x1x128xi32, #tpu.memory_space<vmem>> -> memref<128xi32, #tpu.memory_space<vmem>>
        %dma_start3A_386 = arith.constant 0 : i32
        %dma_start3A_387 = arith.constant 0 : i32
        %dma_start3A_388 = tpu.memref_slice %arg7[%dma_start3A_386, %dma_start3A_387] : memref<1024x128xf32, #tpu.memory_space<vmem_shared>> -> memref<1024x128xf32, #tpu.memory_space<vmem_shared>>
        tpu.enqueue_indirect_dma source(%dma_start3A_388 : memref<1024x128xf32, #tpu.memory_space<vmem_shared>>) target(%dma_start3A_382 : memref<128x128xf32, #tpu.memory_space<vmem>>) offsets(%dma_start3A_385 : memref<128xi32, #tpu.memory_space<vmem>>) semaphore(%arg13 : memref<!tpu.dma_semaphore, #tpu.memory_space<semaphore_mem>>)
        %dma_start3A_389 = arith.constant 1 : i32
        %dma_start3A_390 = arith.constant 3 : i32
        %dma_start3A_391 = arith.constant 1 : i32
        %dma_start3A_392 = arith.constant 128 : i32
        %dma_start3A_393 = arith.constant 0 : i32
        %dma_start3A_394 = tpu.memref_slice %arg6[%dma_start3A_391, %dma_start3A_392, %dma_start3A_393] : memref<2x256x128xf32, #tpu.memory_space<vmem>> -> memref<1x128x128xf32, #tpu.memory_space<vmem>>
        %dma_start3A_395 = tpu.memref_squeeze %dma_start3A_394 : memref<1x128x128xf32, #tpu.memory_space<vmem>> -> memref<128x128xf32, #tpu.memory_space<vmem>>
        %dma_start3A_396 = arith.constant 0 : i32
        %dma_start3A_397 = tpu.memref_slice %arg5[%dma_start3A_389, %dma_start3A_390, %dma_start3A_396] : memref<2x4x128xi32, #tpu.memory_space<vmem>> -> memref<1x1x128xi32, #tpu.memory_space<vmem>>
        %dma_start3A_398 = tpu.memref_squeeze %dma_start3A_397 : memref<1x1x128xi32, #tpu.memory_space<vmem>> -> memref<128xi32, #tpu.memory_space<vmem>>
        %dma_start3A_399 = arith.constant 0 : i32
        %dma_start3A_400 = arith.constant 0 : i32
        %dma_start3A_401 = tpu.memref_slice %arg7[%dma_start3A_399, %dma_start3A_400] : memref<1024x128xf32, #tpu.memory_space<vmem_shared>> -> memref<1024x128xf32, #tpu.memory_space<vmem_shared>>
        tpu.enqueue_indirect_dma source(%dma_start3A_401 : memref<1024x128xf32, #tpu.memory_space<vmem_shared>>) target(%dma_start3A_395 : memref<128x128xf32, #tpu.memory_space<vmem>>) offsets(%dma_start3A_398 : memref<128xi32, #tpu.memory_space<vmem>>) semaphore(%arg13 : memref<!tpu.dma_semaphore, #tpu.memory_space<semaphore_mem>>)
      } else {
      }
      %add3A_311 = arith.constant 3 : i32
      %add3A_312 = arith.addi %add3A_151, %add3A_311 : i32
      %dma_wait3A_313 = arith.constant 1 : i32
      %dma_wait3A_314 = arith.constant 2 : i32
      %dma_wait3A_315 = arith.constant 1 : i32
      %dma_wait3A_316 = arith.constant 0 : i32
      %dma_wait3A_317 = arith.constant 0 : i32
      %dma_wait3A_318 = tpu.memref_slice %arg6[%dma_wait3A_315, %dma_wait3A_316, %dma_wait3A_317] : memref<2x256x128xf32, #tpu.memory_space<vmem>> -> memref<1x128x128xf32, #tpu.memory_space<vmem>>
      %dma_wait3A_319 = tpu.memref_squeeze %dma_wait3A_318 : memref<1x128x128xf32, #tpu.memory_space<vmem>> -> memref<128x128xf32, #tpu.memory_space<vmem>>
      %dma_wait3A_320 = arith.constant 0 : i32
      %dma_wait3A_321 = tpu.memref_slice %arg5[%dma_wait3A_313, %dma_wait3A_314, %dma_wait3A_320] : memref<2x4x128xi32, #tpu.memory_space<vmem>> -> memref<1x1x128xi32, #tpu.memory_space<vmem>>
      %dma_wait3A_322 = tpu.memref_squeeze %dma_wait3A_321 : memref<1x1x128xi32, #tpu.memory_space<vmem>> -> memref<128xi32, #tpu.memory_space<vmem>>
      %dma_wait3A_323 = arith.constant 0 : i32
      %dma_wait3A_324 = arith.constant 0 : i32
      %dma_wait3A_325 = tpu.memref_slice %arg7[%dma_wait3A_323, %dma_wait3A_324] : memref<1024x128xf32, #tpu.memory_space<vmem_shared>> -> memref<1024x128xf32, #tpu.memory_space<vmem_shared>>
      tpu.wait_indirect_dma semaphore(%arg13 : memref<!tpu.dma_semaphore, #tpu.memory_space<semaphore_mem>>) src(%dma_wait3A_325 : memref<1024x128xf32, #tpu.memory_space<vmem_shared>>) dst(%dma_wait3A_319 : memref<128x128xf32, #tpu.memory_space<vmem>>)
      %dma_wait3A_326 = arith.constant 1 : i32
      %dma_wait3A_327 = arith.constant 3 : i32
      %dma_wait3A_328 = arith.constant 1 : i32
      %dma_wait3A_329 = arith.constant 128 : i32
      %dma_wait3A_330 = arith.constant 0 : i32
      %dma_wait3A_331 = tpu.memref_slice %arg6[%dma_wait3A_328, %dma_wait3A_329, %dma_wait3A_330] : memref<2x256x128xf32, #tpu.memory_space<vmem>> -> memref<1x128x128xf32, #tpu.memory_space<vmem>>
      %dma_wait3A_332 = tpu.memref_squeeze %dma_wait3A_331 : memref<1x128x128xf32, #tpu.memory_space<vmem>> -> memref<128x128xf32, #tpu.memory_space<vmem>>
      %dma_wait3A_333 = arith.constant 0 : i32
      %dma_wait3A_334 = tpu.memref_slice %arg5[%dma_wait3A_326, %dma_wait3A_327, %dma_wait3A_333] : memref<2x4x128xi32, #tpu.memory_space<vmem>> -> memref<1x1x128xi32, #tpu.memory_space<vmem>>
      %dma_wait3A_335 = tpu.memref_squeeze %dma_wait3A_334 : memref<1x1x128xi32, #tpu.memory_space<vmem>> -> memref<128xi32, #tpu.memory_space<vmem>>
      %dma_wait3A_336 = arith.constant 0 : i32
      %dma_wait3A_337 = arith.constant 0 : i32
      %dma_wait3A_338 = tpu.memref_slice %arg7[%dma_wait3A_336, %dma_wait3A_337] : memref<1024x128xf32, #tpu.memory_space<vmem_shared>> -> memref<1024x128xf32, #tpu.memory_space<vmem_shared>>
      tpu.wait_indirect_dma semaphore(%arg13 : memref<!tpu.dma_semaphore, #tpu.memory_space<semaphore_mem>>) src(%dma_wait3A_338 : memref<1024x128xf32, #tpu.memory_space<vmem_shared>>) dst(%dma_wait3A_332 : memref<128x128xf32, #tpu.memory_space<vmem>>)
      %mul3A_339 = arith.constant 256 : i32
      %mul3A_340 = arith.muli %add3A_312, %mul3A_339 : i32
      %add3A_341 = arith.addi %mul3A_4, %mul3A_340 : i32
      %dma_start3A_342 = arith.constant 1 : i32
      %dma_start3A_343 = arith.constant 0 : i32
      %dma_start3A_344 = arith.constant 0 : i32
      %dma_start3A_345 = tpu.memref_slice %arg6[%dma_start3A_342, %dma_start3A_343, %dma_start3A_344] : memref<2x256x128xf32, #tpu.memory_space<vmem>> -> memref<1x256x128xf32, #tpu.memory_space<vmem>>
      %dma_start3A_346 = tpu.memref_squeeze %dma_start3A_345 : memref<1x256x128xf32, #tpu.memory_space<vmem>> -> memref<256x128xf32, #tpu.memory_space<vmem>>
      %dma_start3A_347 = arith.constant 0 : i32
      %dma_start3A_348 = tpu.memref_slice %arg4[%add3A_341, %dma_start3A_347] : memref<3276800x128xf32, #tpu.memory_space<hbm>> -> memref<256x128xf32, #tpu.memory_space<hbm>>
      %dma_start3A_349 = arith.constant 0 : i32
      %dma_start3A_350 = tpu.memref_slice %arg4[%add3A_341, %dma_start3A_349] : memref<3276800x128xf32, #tpu.memory_space<hbm>> -> memref<256x128xf32, #tpu.memory_space<hbm>>
      %dma_start3A_351 = arith.constant 0 : i32
      %dma_start3A_352 = arith.constant 0 : i32
      %dma_start3A_353 = tpu.memref_slice %arg6[%dma_start3A_342, %dma_start3A_351, %dma_start3A_352] : memref<2x256x128xf32, #tpu.memory_space<vmem>> -> memref<1x256x128xf32, #tpu.memory_space<vmem>>
      %dma_start3A_354 = tpu.memref_squeeze %dma_start3A_353 : memref<1x256x128xf32, #tpu.memory_space<vmem>> -> memref<256x128xf32, #tpu.memory_space<vmem>>
      tpu.enqueue_dma source(%dma_start3A_354 : memref<256x128xf32, #tpu.memory_space<vmem>>) target(%dma_start3A_350 : memref<256x128xf32, #tpu.memory_space<hbm>>) target_semaphore(%arg11 : memref<!tpu.dma_semaphore, #tpu.memory_space<semaphore_mem>>)
      %add3A_355 = arith.constant 4 : i32
      %add3A_356 = arith.addi %add3A_312, %add3A_355 : i32
      %lt3A_357 = arith.constant 400 : i32
      %lt3A_358 = arith.cmpi slt, %add3A_356, %lt3A_357 : i32
      %convert_element_type3A_359 = arith.extui %lt3A_358 : i1 to i32
      %cond3A_360 = arith.constant 0 : i32
      %cond3A_361 = arith.cmpi ne, %convert_element_type3A_359, %cond3A_360 : i32
      scf.if %cond3A_361 {
        %jit3A_369 = arith.constant 2 : i32
        %div3A_370 = arith.divsi %add3A_312, %jit3A_369 : i32
        %sign3A_371 = arith.constant 0 : i32
        %sign3A_372 = arith.cmpi sgt, %add3A_312, %sign3A_371 : i32
        %sign3A_373 = arith.extui %sign3A_372 : i1 to i32
        %sign3A_374 = arith.constant 0 : i32
        %sign3A_375 = arith.cmpi slt, %add3A_312, %sign3A_374 : i32
        %sign3A_376 = arith.extui %sign3A_375 : i1 to i32
        %sign3A_377 = arith.subi %sign3A_373, %sign3A_376 : i32
        %sign3A_378 = arith.constant 0 : i32
        %sign3A_379 = arith.cmpi sgt, %jit3A_369, %sign3A_378 : i32
        %sign3A_380 = arith.extui %sign3A_379 : i1 to i32
        %sign3A_381 = arith.constant 0 : i32
        %sign3A_382 = arith.cmpi slt, %jit3A_369, %sign3A_381 : i32
        %sign3A_383 = arith.extui %sign3A_382 : i1 to i32
        %sign3A_384 = arith.subi %sign3A_380, %sign3A_383 : i32
        %ne3A_385 = arith.cmpi ne, %sign3A_377, %sign3A_384 : i32
        %rem3A_386 = arith.remsi %add3A_312, %jit3A_369 : i32
        %ne3A_387 = arith.constant 0 : i32
        %ne3A_388 = arith.cmpi ne, %rem3A_386, %ne3A_387 : i32
        %and3A_389 = arith.andi %ne3A_385, %ne3A_388 : i1
        %sub3A_390 = arith.constant 1 : i32
        %sub3A_391 = arith.subi %div3A_370, %sub3A_390 : i32
        %select_n3A_392 = arith.select %and3A_389, %sub3A_391, %div3A_370 : i32
        %add3A_393 = arith.constant 2 : i32
        %add3A_394 = arith.addi %select_n3A_392, %add3A_393 : i32
        %mul3A_395 = arith.constant 2 : i32
        %mul3A_396 = arith.muli %add3A_394, %mul3A_395 : i32
        %mul3A_397 = arith.constant 2 : i32
        %mul3A_398 = arith.muli %mul3A_396, %mul3A_397 : i32
        %add3A_399 = arith.addi %mul3A_2, %mul3A_398 : i32
        %dma_start3A_400 = arith.constant 1 : i32
        %dma_start3A_401 = arith.constant 0 : i32
        %dma_start3A_402 = arith.constant 0 : i32
        %dma_start3A_403 = tpu.memref_slice %arg5[%dma_start3A_400, %dma_start3A_401, %dma_start3A_402] : memref<2x4x128xi32, #tpu.memory_space<vmem>> -> memref<1x4x128xi32, #tpu.memory_space<vmem>>
        %dma_start3A_404 = tpu.memref_squeeze %dma_start3A_403 : memref<1x4x128xi32, #tpu.memory_space<vmem>> -> memref<4x128xi32, #tpu.memory_space<vmem>>
        %dma_start3A_405 = arith.constant 0 : i32
        %dma_start3A_406 = tpu.memref_slice %arg2[%add3A_399, %dma_start3A_405] : memref<25600x128xi32, #tpu.memory_space<hbm>> -> memref<4x128xi32, #tpu.memory_space<hbm>>
        %dma_start3A_407 = arith.constant 0 : i32
        %dma_start3A_408 = arith.constant 0 : i32
        %dma_start3A_409 = tpu.memref_slice %arg5[%dma_start3A_400, %dma_start3A_407, %dma_start3A_408] : memref<2x4x128xi32, #tpu.memory_space<vmem>> -> memref<1x4x128xi32, #tpu.memory_space<vmem>>
        %dma_start3A_410 = tpu.memref_squeeze %dma_start3A_409 : memref<1x4x128xi32, #tpu.memory_space<vmem>> -> memref<4x128xi32, #tpu.memory_space<vmem>>
        %dma_start3A_411 = arith.constant 0 : i32
        %dma_start3A_412 = tpu.memref_slice %arg2[%add3A_399, %dma_start3A_411] : memref<25600x128xi32, #tpu.memory_space<hbm>> -> memref<4x128xi32, #tpu.memory_space<hbm>>
        tpu.enqueue_dma source(%dma_start3A_412 : memref<4x128xi32, #tpu.memory_space<hbm>>) target(%dma_start3A_410 : memref<4x128xi32, #tpu.memory_space<vmem>>) target_semaphore(%arg9 : memref<!tpu.dma_semaphore, #tpu.memory_space<semaphore_mem>>)
      } else {
      }
      %add3A_362 = arith.constant 1 : i32
      %add3A_363 = arith.addi %add3A_312, %add3A_362 : i32
      %lt3A_364 = arith.constant 400 : i32
      %lt3A_365 = arith.cmpi slt, %add3A_363, %lt3A_364 : i32
      %convert_element_type3A_366 = arith.extui %lt3A_365 : i1 to i32
      %cond3A_367 = arith.constant 0 : i32
      %cond3A_368 = arith.cmpi ne, %convert_element_type3A_366, %cond3A_367 : i32
      scf.if %cond3A_368 {
        %add3A_369 = arith.constant 1 : i32
        %add3A_370 = arith.addi %add3A_312, %add3A_369 : i32
        %ge3A_371 = arith.constant 2 : i32
        %ge3A_372 = arith.cmpi sge, %add3A_370, %ge3A_371 : i32
        %convert_element_type3A_373 = arith.extui %ge3A_372 : i1 to i32
        %cond3A_374 = arith.constant 0 : i32
        %cond3A_375 = arith.cmpi ne, %convert_element_type3A_373, %cond3A_374 : i32
        scf.if %cond3A_375 {
          %sub3A_444 = arith.constant 2 : i32
          %sub3A_445 = arith.subi %add3A_370, %sub3A_444 : i32
          %mul3A_446 = arith.constant 256 : i32
          %mul3A_447 = arith.muli %sub3A_445, %mul3A_446 : i32
          %add3A_448 = arith.addi %mul3A_4, %mul3A_447 : i32
          %dma_wait3A_449 = arith.constant 0 : i32
          %dma_wait3A_450 = arith.constant 0 : i32
          %dma_wait3A_451 = arith.constant 0 : i32
          %dma_wait3A_452 = tpu.memref_slice %arg6[%dma_wait3A_449, %dma_wait3A_450, %dma_wait3A_451] : memref<2x256x128xf32, #tpu.memory_space<vmem>> -> memref<1x256x128xf32, #tpu.memory_space<vmem>>
          %dma_wait3A_453 = tpu.memref_squeeze %dma_wait3A_452 : memref<1x256x128xf32, #tpu.memory_space<vmem>> -> memref<256x128xf32, #tpu.memory_space<vmem>>
          %dma_wait3A_454 = arith.constant 0 : i32
          %dma_wait3A_455 = tpu.memref_slice %arg4[%add3A_448, %dma_wait3A_454] : memref<3276800x128xf32, #tpu.memory_space<hbm>> -> memref<256x128xf32, #tpu.memory_space<hbm>>
          %dma_wait3A_456 = arith.constant 0 : i32
          %dma_wait3A_457 = tpu.memref_slice %arg4[%add3A_448, %dma_wait3A_456] : memref<3276800x128xf32, #tpu.memory_space<hbm>> -> memref<256x128xf32, #tpu.memory_space<hbm>>
          %dma_wait3A_458 = arith.constant 0 : i32
          %dma_wait3A_459 = arith.constant 0 : i32
          %dma_wait3A_460 = tpu.memref_slice %arg6[%dma_wait3A_449, %dma_wait3A_458, %dma_wait3A_459] : memref<2x256x128xf32, #tpu.memory_space<vmem>> -> memref<1x256x128xf32, #tpu.memory_space<vmem>>
          %dma_wait3A_461 = tpu.memref_squeeze %dma_wait3A_460 : memref<1x256x128xf32, #tpu.memory_space<vmem>> -> memref<256x128xf32, #tpu.memory_space<vmem>>
          tpu.wait_dma2 semaphore(%arg10 : memref<!tpu.dma_semaphore, #tpu.memory_space<semaphore_mem>>) src(%dma_wait3A_461 : memref<256x128xf32, #tpu.memory_space<vmem>>) dst(%dma_wait3A_457 : memref<256x128xf32, #tpu.memory_space<hbm>>)
        } else {
        }
        %jit3A_376 = arith.constant 2 : i32
        %div3A_377 = arith.divsi %add3A_370, %jit3A_376 : i32
        %sign3A_378 = arith.constant 0 : i32
        %sign3A_379 = arith.cmpi sgt, %add3A_370, %sign3A_378 : i32
        %sign3A_380 = arith.extui %sign3A_379 : i1 to i32
        %sign3A_381 = arith.constant 0 : i32
        %sign3A_382 = arith.cmpi slt, %add3A_370, %sign3A_381 : i32
        %sign3A_383 = arith.extui %sign3A_382 : i1 to i32
        %sign3A_384 = arith.subi %sign3A_380, %sign3A_383 : i32
        %sign3A_385 = arith.constant 0 : i32
        %sign3A_386 = arith.cmpi sgt, %jit3A_376, %sign3A_385 : i32
        %sign3A_387 = arith.extui %sign3A_386 : i1 to i32
        %sign3A_388 = arith.constant 0 : i32
        %sign3A_389 = arith.cmpi slt, %jit3A_376, %sign3A_388 : i32
        %sign3A_390 = arith.extui %sign3A_389 : i1 to i32
        %sign3A_391 = arith.subi %sign3A_387, %sign3A_390 : i32
        %ne3A_392 = arith.cmpi ne, %sign3A_384, %sign3A_391 : i32
        %rem3A_393 = arith.remsi %add3A_370, %jit3A_376 : i32
        %ne3A_394 = arith.constant 0 : i32
        %ne3A_395 = arith.cmpi ne, %rem3A_393, %ne3A_394 : i32
        %and3A_396 = arith.andi %ne3A_392, %ne3A_395 : i1
        %sub3A_397 = arith.constant 1 : i32
        %sub3A_398 = arith.subi %div3A_377, %sub3A_397 : i32
        %select_n3A_399 = arith.select %and3A_396, %sub3A_398, %div3A_377 : i32
        %mul3A_400 = arith.constant 2 : i32
        %mul3A_401 = arith.muli %select_n3A_399, %mul3A_400 : i32
        %mul3A_402 = arith.constant 2 : i32
        %mul3A_403 = arith.muli %mul3A_401, %mul3A_402 : i32
        %add3A_404 = arith.addi %mul3A_2, %mul3A_403 : i32
        %dma_wait3A_405 = arith.constant 0 : i32
        %dma_wait3A_406 = arith.constant 0 : i32
        %dma_wait3A_407 = arith.constant 0 : i32
        %dma_wait3A_408 = tpu.memref_slice %arg5[%dma_wait3A_405, %dma_wait3A_406, %dma_wait3A_407] : memref<2x4x128xi32, #tpu.memory_space<vmem>> -> memref<1x4x128xi32, #tpu.memory_space<vmem>>
        %dma_wait3A_409 = tpu.memref_squeeze %dma_wait3A_408 : memref<1x4x128xi32, #tpu.memory_space<vmem>> -> memref<4x128xi32, #tpu.memory_space<vmem>>
        %dma_wait3A_410 = arith.constant 0 : i32
        %dma_wait3A_411 = tpu.memref_slice %arg2[%add3A_404, %dma_wait3A_410] : memref<25600x128xi32, #tpu.memory_space<hbm>> -> memref<4x128xi32, #tpu.memory_space<hbm>>
        %dma_wait3A_412 = arith.constant 0 : i32
        %dma_wait3A_413 = arith.constant 0 : i32
        %dma_wait3A_414 = tpu.memref_slice %arg5[%dma_wait3A_405, %dma_wait3A_412, %dma_wait3A_413] : memref<2x4x128xi32, #tpu.memory_space<vmem>> -> memref<1x4x128xi32, #tpu.memory_space<vmem>>
        %dma_wait3A_415 = tpu.memref_squeeze %dma_wait3A_414 : memref<1x4x128xi32, #tpu.memory_space<vmem>> -> memref<4x128xi32, #tpu.memory_space<vmem>>
        %dma_wait3A_416 = arith.constant 0 : i32
        %dma_wait3A_417 = tpu.memref_slice %arg2[%add3A_404, %dma_wait3A_416] : memref<25600x128xi32, #tpu.memory_space<hbm>> -> memref<4x128xi32, #tpu.memory_space<hbm>>
        tpu.wait_dma2 semaphore(%arg8 : memref<!tpu.dma_semaphore, #tpu.memory_space<semaphore_mem>>) src(%dma_wait3A_417 : memref<4x128xi32, #tpu.memory_space<hbm>>) dst(%dma_wait3A_415 : memref<4x128xi32, #tpu.memory_space<vmem>>)
        %dma_start3A_418 = arith.constant 0 : i32
        %dma_start3A_419 = arith.constant 0 : i32
        %dma_start3A_420 = arith.constant 0 : i32
        %dma_start3A_421 = arith.constant 0 : i32
        %dma_start3A_422 = arith.constant 0 : i32
        %dma_start3A_423 = tpu.memref_slice %arg6[%dma_start3A_420, %dma_start3A_421, %dma_start3A_422] : memref<2x256x128xf32, #tpu.memory_space<vmem>> -> memref<1x128x128xf32, #tpu.memory_space<vmem>>
        %dma_start3A_424 = tpu.memref_squeeze %dma_start3A_423 : memref<1x128x128xf32, #tpu.memory_space<vmem>> -> memref<128x128xf32, #tpu.memory_space<vmem>>
        %dma_start3A_425 = arith.constant 0 : i32
        %dma_start3A_426 = tpu.memref_slice %arg5[%dma_start3A_418, %dma_start3A_419, %dma_start3A_425] : memref<2x4x128xi32, #tpu.memory_space<vmem>> -> memref<1x1x128xi32, #tpu.memory_space<vmem>>
        %dma_start3A_427 = tpu.memref_squeeze %dma_start3A_426 : memref<1x1x128xi32, #tpu.memory_space<vmem>> -> memref<128xi32, #tpu.memory_space<vmem>>
        %dma_start3A_428 = arith.constant 0 : i32
        %dma_start3A_429 = arith.constant 0 : i32
        %dma_start3A_430 = tpu.memref_slice %arg7[%dma_start3A_428, %dma_start3A_429] : memref<1024x128xf32, #tpu.memory_space<vmem_shared>> -> memref<1024x128xf32, #tpu.memory_space<vmem_shared>>
        tpu.enqueue_indirect_dma source(%dma_start3A_430 : memref<1024x128xf32, #tpu.memory_space<vmem_shared>>) target(%dma_start3A_424 : memref<128x128xf32, #tpu.memory_space<vmem>>) offsets(%dma_start3A_427 : memref<128xi32, #tpu.memory_space<vmem>>) semaphore(%arg12 : memref<!tpu.dma_semaphore, #tpu.memory_space<semaphore_mem>>)
        %dma_start3A_431 = arith.constant 0 : i32
        %dma_start3A_432 = arith.constant 1 : i32
        %dma_start3A_433 = arith.constant 0 : i32
        %dma_start3A_434 = arith.constant 128 : i32
        %dma_start3A_435 = arith.constant 0 : i32
        %dma_start3A_436 = tpu.memref_slice %arg6[%dma_start3A_433, %dma_start3A_434, %dma_start3A_435] : memref<2x256x128xf32, #tpu.memory_space<vmem>> -> memref<1x128x128xf32, #tpu.memory_space<vmem>>
        %dma_start3A_437 = tpu.memref_squeeze %dma_start3A_436 : memref<1x128x128xf32, #tpu.memory_space<vmem>> -> memref<128x128xf32, #tpu.memory_space<vmem>>
        %dma_start3A_438 = arith.constant 0 : i32
        %dma_start3A_439 = tpu.memref_slice %arg5[%dma_start3A_431, %dma_start3A_432, %dma_start3A_438] : memref<2x4x128xi32, #tpu.memory_space<vmem>> -> memref<1x1x128xi32, #tpu.memory_space<vmem>>
        %dma_start3A_440 = tpu.memref_squeeze %dma_start3A_439 : memref<1x1x128xi32, #tpu.memory_space<vmem>> -> memref<128xi32, #tpu.memory_space<vmem>>
        %dma_start3A_441 = arith.constant 0 : i32
        %dma_start3A_442 = arith.constant 0 : i32
        %dma_start3A_443 = tpu.memref_slice %arg7[%dma_start3A_441, %dma_start3A_442] : memref<1024x128xf32, #tpu.memory_space<vmem_shared>> -> memref<1024x128xf32, #tpu.memory_space<vmem_shared>>
        tpu.enqueue_indirect_dma source(%dma_start3A_443 : memref<1024x128xf32, #tpu.memory_space<vmem_shared>>) target(%dma_start3A_437 : memref<128x128xf32, #tpu.memory_space<vmem>>) offsets(%dma_start3A_440 : memref<128xi32, #tpu.memory_space<vmem>>) semaphore(%arg12 : memref<!tpu.dma_semaphore, #tpu.memory_space<semaphore_mem>>)
      } else {
      }
    }
    %scan3A_112 = arith.constant 100 : i32
    %mul3A_113 = arith.constant 398 : i32
    %mul3A_114 = arith.constant 256 : i32
    %mul3A_115 = arith.muli %mul3A_113, %mul3A_114 : i32
    %add3A_116 = arith.addi %mul3A_4, %mul3A_115 : i32
    %dma_wait3A_117 = arith.constant 0 : i32
    %dma_wait3A_118 = arith.constant 0 : i32
    %dma_wait3A_119 = arith.constant 0 : i32
    %dma_wait3A_120 = tpu.memref_slice %arg6[%dma_wait3A_117, %dma_wait3A_118, %dma_wait3A_119] : memref<2x256x128xf32, #tpu.memory_space<vmem>> -> memref<1x256x128xf32, #tpu.memory_space<vmem>>
    %dma_wait3A_121 = tpu.memref_squeeze %dma_wait3A_120 : memref<1x256x128xf32, #tpu.memory_space<vmem>> -> memref<256x128xf32, #tpu.memory_space<vmem>>
    %dma_wait3A_122 = arith.constant 0 : i32
    %dma_wait3A_123 = tpu.memref_slice %arg4[%add3A_116, %dma_wait3A_122] : memref<3276800x128xf32, #tpu.memory_space<hbm>> -> memref<256x128xf32, #tpu.memory_space<hbm>>
    %dma_wait3A_124 = arith.constant 0 : i32
    %dma_wait3A_125 = tpu.memref_slice %arg4[%add3A_116, %dma_wait3A_124] : memref<3276800x128xf32, #tpu.memory_space<hbm>> -> memref<256x128xf32, #tpu.memory_space<hbm>>
    %dma_wait3A_126 = arith.constant 0 : i32
    %dma_wait3A_127 = arith.constant 0 : i32
    %dma_wait3A_128 = tpu.memref_slice %arg6[%dma_wait3A_117, %dma_wait3A_126, %dma_wait3A_127] : memref<2x256x128xf32, #tpu.memory_space<vmem>> -> memref<1x256x128xf32, #tpu.memory_space<vmem>>
    %dma_wait3A_129 = tpu.memref_squeeze %dma_wait3A_128 : memref<1x256x128xf32, #tpu.memory_space<vmem>> -> memref<256x128xf32, #tpu.memory_space<vmem>>
    tpu.wait_dma2 semaphore(%arg10 : memref<!tpu.dma_semaphore, #tpu.memory_space<semaphore_mem>>) src(%dma_wait3A_129 : memref<256x128xf32, #tpu.memory_space<vmem>>) dst(%dma_wait3A_125 : memref<256x128xf32, #tpu.memory_space<hbm>>)
    %mul3A_130 = arith.constant 399 : i32
    %mul3A_131 = arith.constant 256 : i32
    %mul3A_132 = arith.muli %mul3A_130, %mul3A_131 : i32
    %add3A_133 = arith.addi %mul3A_4, %mul3A_132 : i32
    %dma_wait3A_134 = arith.constant 1 : i32
    %dma_wait3A_135 = arith.constant 0 : i32
    %dma_wait3A_136 = arith.constant 0 : i32
    %dma_wait3A_137 = tpu.memref_slice %arg6[%dma_wait3A_134, %dma_wait3A_135, %dma_wait3A_136] : memref<2x256x128xf32, #tpu.memory_space<vmem>> -> memref<1x256x128xf32, #tpu.memory_space<vmem>>
    %dma_wait3A_138 = tpu.memref_squeeze %dma_wait3A_137 : memref<1x256x128xf32, #tpu.memory_space<vmem>> -> memref<256x128xf32, #tpu.memory_space<vmem>>
    %dma_wait3A_139 = arith.constant 0 : i32
    %dma_wait3A_140 = tpu.memref_slice %arg4[%add3A_133, %dma_wait3A_139] : memref<3276800x128xf32, #tpu.memory_space<hbm>> -> memref<256x128xf32, #tpu.memory_space<hbm>>
    %dma_wait3A_141 = arith.constant 0 : i32
    %dma_wait3A_142 = tpu.memref_slice %arg4[%add3A_133, %dma_wait3A_141] : memref<3276800x128xf32, #tpu.memory_space<hbm>> -> memref<256x128xf32, #tpu.memory_space<hbm>>
    %dma_wait3A_143 = arith.constant 0 : i32
    %dma_wait3A_144 = arith.constant 0 : i32
    %dma_wait3A_145 = tpu.memref_slice %arg6[%dma_wait3A_134, %dma_wait3A_143, %dma_wait3A_144] : memref<2x256x128xf32, #tpu.memory_space<vmem>> -> memref<1x256x128xf32, #tpu.memory_space<vmem>>
    %dma_wait3A_146 = tpu.memref_squeeze %dma_wait3A_145 : memref<1x256x128xf32, #tpu.memory_space<vmem>> -> memref<256x128xf32, #tpu.memory_space<vmem>>
    tpu.wait_dma2 semaphore(%arg11 : memref<!tpu.dma_semaphore, #tpu.memory_space<semaphore_mem>>) src(%dma_wait3A_146 : memref<256x128xf32, #tpu.memory_space<vmem>>) dst(%dma_wait3A_142 : memref<256x128xf32, #tpu.memory_space<hbm>>)
    return
  }
}

</mosaic_0001>

<sc_bundles>
// kernel: kernel.3.cloned.1.call-start
scs
__scs_entry_jumppad:
0x0: {  	(pc) =	sbr.rel $0x88, $3  }
0x1: {  	(tag) =	ssettag $0x0;
	lr =	simm.s32 $0x1  }
0x2: {  	[smem:$0x3F9F] =	sst lr;
	_ =	strace $0xD0000000  }
0x3: {  	_ = 	snop  }
0x4: {  	_ = 	snop  }
0x5: {  	_ = 	snop  }
0x6: {  	_ = 	snop  }
0x7: {  	_ = 	snop  }
__scs_overlays_trampoline_lowered:
0x8: {  	[smem:$0x3FAE] =	sst s0  }
0x9: {  	[smem:$0x3FAF] =	sst s1  }
0xa: {  	[smem:$0x3FB0] =	sst s2  }
0xb: {  	[smem:$0x3FB1] =	sst s3  }
0xc: {  	[smem:$0x3FB2] =	sst s4  }
0xd: {  	[smem:$0x3FB3] =	sst s5  }
0xe: {  	[smem:$0x3FB4] =	sst s6  }
0xf: {  	[smem:$0x3FB5] =	sst s7  }
0x10: {  	[smem:$0x3FB6] =	sst s8  }
0x11: {  	[smem:$0x3FB7] =	sst s9;
	s0 =	simm.s32 @!p0 $0x0  }
0x12: {  	s1 =	sld [smem:$0x3F9D];
	s0 =	simm.s32 @p0 $0x1  }
0x13: {  	[smem:$0x3FB8] =	sst s0;
	s0 =	simm.s32 @!p1 $0x0  }
0x14: {  	s2 =	sld [smem:$0x3F9C];
	s0 =	simm.s32 @p1 $0x1  }
0x15: {  	[smem:$0x3FB9] =	sst s0;
	s0 =	simm.s32 @!p2 $0x0  }
0x16: {  	s3 =	sld [smem:$0x3FDB];
	s0 =	simm.s32 @p2 $0x1  }
0x17: {  	s4 =	simm.s32 $0x1BF5;
	[smem:$0x3FBB] =	sst s0  }
0x18: {  	s0 =	sld [smem:$0x3F9E];
	_ =	swait.ge [sflag:s4], $0x0  }
0x19: {  	s7 =	sld [smem:$0x3F9F]  }
0x1a: {  	s8 =	sadd.s32 $0xFFFFE003, lr  }
0x1b: {  	s9 =	sadd.s32 $0xFFFFFEF7, lr;
	s5 =	simm.s32 $0xFFFFFFFF;
	p2 =	slt.u32 s8, $0xFFFFF086  }
0x1c: {  	p1 =	slt.u32 s9, $0xF7A;
	s5 =	simm.s32 @!p2 $0x0  }
0x1d: {  	s5 =	simm.s32 @p1 $0x1;
	p0 =	seq.s32 s7, s2  }
0x1e: {  	s7 =	smul.u32 @!p0 $0xF7A, s2;
	p2 =	seq.s32 @!p0 s5, $0x0  }
0x1f: {  	s9 =	smul.u32 $0xF7A, s1;
	s8 =	simm.s32 @!p0 $0x1BF5;
	p2 =	por !p2, p0  }
0x20: {  	[sflag:s8] =	ssyncset.s32 @!p0 $0xFFFFF086;
	s6 =	sadd.s32 @!p0 s3, s7;
	s7 =	simm.s32 @!p0 $0x108  }
0x21: {  	s3 =	sadd.s32 s3, s9;
	s6 =	sadd.s32 @!p0 $0x88, s6;
	s7 =	simm.s32 @p2 $0x1082  }
0x22: {  	[simem:s7], [sflag:s8] =	dma.local @!p0 [hbm:s6], $0xF7A  }
0x23: {  	s9 =	sor.u32 $0xD0000000, s2;
	s6 =	simm.s32 $0x108;
	_ =	swait.ge @!p0 [sflag:s8], $0x0  }
0x24: {  	s3 =	sadd.s32 $0x88, s3;
	s6 =	simm.s32 @!p1 $0x1082;
	[sflag:s4] =	ssyncset.s32 $0xFFFFF086  }
0x25: {  	[simem:s6], [sflag:s4] =	dma.local [hbm:s3], $0xF7A  }
0x26: {  	[smem:$0x3F9F] =	sst s1;
	(tag) =	ssettag s2;
	_ =	strace s9  }
0x27: {  	s1 =	sld [smem:$0x3FAF]  }
0x28: {  	s2 =	sld [smem:$0x3FB0]  }
0x29: {  	s4 =	sld [smem:$0x3FB2]  }
0x2a: {  	p0 =	seq.s32 s5, $0x0;
	s5 =	sld [smem:$0x3FB3]  }
0x2b: {  	s6 =	sld [smem:$0x3FB4]  }
0x2c: {  	s7 =	sld [smem:$0x3FB5]  }
0x2d: {  	s3 =	simm.s32 $0x108;
	s8 =	sld [smem:$0x3FB6]  }
0x2e: {  	s3 =	simm.s32 @!p0 $0x1082;
	s9 =	sld [smem:$0x3FB7]  }
0x2f: {  	lr =	sadd.s32 s0, s3;
	s0 =	sld [smem:$0x3FAE]  }
0x30: {  	s3 =	sld [smem:$0x3FB1]  }
0x31: {  	[smem:$0x3FBA] =	sst s10  }
0x32: {  	s10 =	sld [smem:$0x3FB8];
	_ =	sdelay $0x3  }
0x33: {  	p0 =	seq.s32 s10, $0x1;
	s10 =	sld [smem:$0x3FBA];
	_ =	sdelay $0x3  }
0x34: {  	[smem:$0x3FBA] =	sst s10  }
0x35: {  	s10 =	sld [smem:$0x3FB9];
	_ =	sdelay $0x3  }
0x36: {  	p1 =	seq.s32 s10, $0x1;
	s10 =	sld [smem:$0x3FBA];
	_ =	sdelay $0x3  }
0x37: {  	[smem:$0x3FBA] =	sst s10  }
0x38: {  	s10 =	sld [smem:$0x3FBB]  }
0x39: {  	_ = 	snop;
	(pc) =	sbr.ind lr, $3  }
0x3a: {  	_ = 	snop  }
0x3b: {  	_ = 	snop  }
0x3c: {  	p2 =	seq.s32 s10, $0x1;
	s10 =	sld [smem:$0x3FBA]  }
0x3d: {  	_ =	shalt  }
0x3e: {  	_ =	shalt  }
0x3f: {  	_ =	shalt  }
0x40: {  	_ =	shalt  }
0x41: {  	_ =	shalt  }
0x42: {  	_ =	shalt  }
0x43: {  	_ =	shalt  }
0x44: {  	_ =	shalt  }
0x45: {  	_ =	shalt  }
0x46: {  	_ =	shalt  }
0x47: {  	_ =	shalt  }
0x48: {  	_ =	shalt  }
0x49: {  	_ =	shalt  }
0x4a: {  	_ =	shalt  }
0x4b: {  	_ =	shalt  }
0x4c: {  	_ =	shalt  }
0x4d: {  	_ =	shalt  }
0x4e: {  	_ =	shalt  }
0x4f: {  	_ =	shalt  }
0x50: {  	_ =	shalt  }
0x51: {  	_ =	shalt  }
0x52: {  	_ =	shalt  }
0x53: {  	_ =	shalt  }
0x54: {  	_ =	shalt  }
0x55: {  	_ =	shalt  }
0x56: {  	_ =	shalt  }
0x57: {  	_ =	shalt  }
0x58: {  	_ =	shalt  }
0x59: {  	_ =	shalt  }
0x5a: {  	_ =	shalt  }
0x5b: {  	_ =	shalt  }
0x5c: {  	_ =	shalt  }
0x5d: {  	_ =	shalt  }
0x5e: {  	_ =	shalt  }
0x5f: {  	_ =	shalt  }
0x60: {  	_ =	shalt  }
0x61: {  	_ =	shalt  }
0x62: {  	_ =	shalt  }
0x63: {  	_ =	shalt  }
0x64: {  	_ =	shalt  }
0x65: {  	_ =	shalt  }
0x66: {  	_ =	shalt  }
0x67: {  	_ =	shalt  }
0x68: {  	_ =	shalt  }
0x69: {  	_ =	shalt  }
0x6a: {  	_ =	shalt  }
0x6b: {  	_ =	shalt  }
0x6c: {  	_ =	shalt  }
0x6d: {  	_ =	shalt  }
0x6e: {  	_ =	shalt  }
0x6f: {  	_ =	shalt  }
0x70: {  	_ =	shalt  }
0x71: {  	_ =	shalt  }
0x72: {  	_ =	shalt  }
0x73: {  	_ =	shalt  }
0x74: {  	_ =	shalt  }
0x75: {  	_ =	shalt  }
0x76: {  	_ =	shalt  }
0x77: {  	_ =	shalt  }
0x78: {  	_ =	shalt  }
0x79: {  	_ =	shalt  }
0x7a: {  	_ =	shalt  }
0x7b: {  	_ =	shalt  }
0x7c: {  	_ =	shalt  }
0x7d: {  	_ =	shalt  }
0x7e: {  	_ =	shalt  }
0x7f: {  	_ =	shalt  }
0x80: {  	_ =	shalt  }
0x81: {  	_ =	shalt  }
0x82: {  	_ =	shalt  }
0x83: {  	_ =	shalt  }
0x84: {  	_ =	shalt  }
0x85: {  	_ =	shalt  }
0x86: {  	_ =	shalt  }
0x87: {  	_ =	shalt  }
.Lfunc_end0:
.L_simem_size_0:
called_computation_lowered:
.L_overlay_start_0:
0x88: {  	s2 =	sld [smem:$0x3FD9]  }
0x89: {  	s3 =	sld [smem:$0x3FFE];
	_ =	sdelay $0x1  }
0x8a: {  	s1 =	srdreg.scid  }
0x8b: {  	s0 =	sand.u32 $0x1, s1  }
0x8c: {  	s17 =	sshll.u32 s0, $0xA;
	s2 =	sadd.s32 s3, s2  }
0x8d: {  	s2 =	sadd.s32 s2, s17  }
0x8e: {  	[smem:$0x3FC6] =	sst s2  }
0x8f: {  	_ = 	snop  }
0x90: {  	s2 =	sld [smem:$0x3FD0];
	(tm) =	ssettm $0x1  }
0x91: {  	s18 =	sld [smem:$0x3FFB];
	_ =	sdelay $0x3  }
0x92: {  	_ =	strace s18  }
0x93: {  	s3 =	sld [smem:$0x3FFC];
	_ =	sdelay $0x3  }
0x94: {  	_ =	strace s3  }
0x95: {  	s3 =	sld [smem:$0x3FFD];
	_ =	sdelay $0x3  }
0x96: {  	_ =	strace s3  }
0x97: {  	_ =	strace $0x8FFFFFFF  }
0x98: {  	s19 =	sld [smem:$0x3FDB];
	_ =	sdelay $0x1  }
0x99: {  	s4 =	simm.s32 $_scs_section_size  }
0x9a: {  	s5 =	simm.s32 $_size__tile_overlayer_lowered;
	s6 =	simm.s32 $_tile_overlayer_lowered  }
0x9b: {  	s22 =	simm.s32 $0x1BFF;
	s21 =	sshll.u32 s6, $0x1;
	s3 =	sadd.s32 s4, s19  }
0x9c: {  	s7 =	simm.s32 $0x0;
	s20 =	sshll.u32 s5, $0x1;
	s5 =	sadd.s32 s21, s3  }
0x9d: {  	[timem:s7], [sflag:s22] =	dma.local [hbm:s5], s20  }
0x9e: {  	_ =	swait.ge [sflag:s22], s20  }
0x9f: {  	s4 =	ssub.s32 $0x0, s20;
	[sflag:s22] =	ssyncset.done $0x0  }
0xa0: {  	[sflag:s22] =	ssyncadd.s32 s4;
	_ =	sdelay $0x1  }
0xa1: {  	s23 =	simm.s32 $0x1B8B  }
0xa2: {  	_ =	swait.ge [sflag:s23], $0x1  }
0xa3: {  	[sflag:s23] =	ssyncset.done $0x0  }
0xa4: {  	s25 =	simm.s32 $0x1B8E;
	s24 =	sld [smem:$0x3FFE];
	[sflag:s23] =	ssyncadd.s32 $0xFFFFFFFF  }
0xa5: {  	s26 =	simm.s32 $execute0_lowered;
	[smem:$0x3FD2] =	sst s25  }
0xa6: {  	s5 =	sshll.u32 s26, $0x1;
	_ =	strace $0x80000046;
	[dreg:$0x1] =	wrdreg $0xFFFFFFFF  }
0xa7: {  	s28 =	simm.s32 $_size_execute0_lowered;
	s3 =	sadd.s32 s3, s5;
	[dreg:$0x0] =	wrdreg $0x0  }
0xa8: {  	s5 =	sshll.u32 s28, $0x1;
	[dreg:$0x2] =	wrdreg s3  }
0xa9: {  	[dreg:$0x3] =	wrdreg s5  }
0xaa: {  	[dreg:$0x4] =	wrdreg $0xC0  }
0xab: {  	_ =	task [dreg:s7], $0x5FFFF  }
0xac: {  	[dreg:$0x1] =	wrdreg $0xFFFFFFFF  }
0xad: {  	[dreg:$0x0] =	wrdreg $0x60  }
0xae: {  	[dreg:$0x2] =	wrdreg s24  }
0xaf: {  	[dreg:$0x3] =	wrdreg s2  }
0xb0: {  	[dreg:$0x4] =	wrdreg $0x104000  }
0xb1: {  	[dreg:$0x5] =	wrdreg $0x9  }
0xb2: {  	_ =	task.clear_ibuf [dreg:s7], $0x6FFFF;
	_ =	strace $0x90000046  }
0xb3: {  	s29 =	simm.s32 $0x9;
	_ =	strace $0x80000048  }
0xb4: {  	_ =	swait.ge [sflag:s29], $0x1  }
0xb5: {  	[sflag:s29] =	ssyncadd.s32 $0xFFFFFFFF  }
0xb6: {  	_ =	strace $0x90000048  }
0xb7: {  	_ =	sfence  }
0xb8: {  	s30 =	sld [smem:$0x0];
	_ =	sdelay $0x2  }
0xb9: {  	s31 =	sshll.u32 s1, $0xD;
	s1 =	sshrl.u32 s1, $0x2  }
0xba: {  	s3 =	sand.u32 $0x4000, s31;
	s1 =	sadd.s32 s1, s30  }
0xbb: {  	s0 =	sor.u32 s3, s0;
	s1 =	sshll.u32 s1, $0x11  }
0xbc: {  	s0 =	sor.u32 s1, s0  }
0xbd: {  	s0 =	sadd.s32 $0x8F2B, s0  }
0xbe: {  	[sflag:s0] =	ssyncadd.remote.s32 $0x1  }
0xbf: {  	_ =	sfence.sel $0xFFFF  }
0xc0: {  	[dreg:$0x0] =	wrdreg $0xFFFFFFFF;
	(pc) =	sbr.abs _section_cstart, $3  }
0xc1: {  	[dreg:$0x1] =	wrdreg $0xFFFFFFFF  }
0xc2: {  	_ =	task.clear_ibuf [dreg:s7], $0x2FFFF;
	_ =	strace $0x9FFFFFFF  }
0xc3: {  	(tm) =	ssettm $0x7FFFFFFF  }
tec
execute0_lowered:
.L_overlay_start_1:
0x0: {  	(tag) =	ssettag $0x1  }
0x1: {  	s0 =	rddreg [dreg:$0x0]  }
0x2: {  	s1 =	rddreg [dreg:$0x1]  }
0x3: {  	s2 =	rddreg [dreg:$0x2]  }
0x4: {  	s3 =	simm.s32 $0x0;
	s12 =	stileid.u32;
	s4 =	srdreg.scid  }
0x5: {  	s14 =	simm.s32 $0x400;
	s15 =	simm.s32 $0x7;
	s28 =	simm.s32 $0x2  }
0x6: {  	s29 =	simm.s32 $0x280;
	s30 =	simm.s32 $0x4;
	s31 =	simm.s32 $0x300  }
0x7: {  	[smem:$0x7FF] =	sst s3;
	s4 =	sand.u32 $0x1, s4;
	s10 =	smul.u32 $0x6400, s12  }
0x8: {  	s5 =	sshll.u32 s12, $0x1;
	s8 =	sadd.s32 $0x600, s0;
	s11 =	smul.u32 $0x1900000, s12  }
0x9: {  	s7 =	sshll.u32 s12, $0xA;
	s16 =	sshll.u32 s12, $0xD;
	s17 =	smul.u32 $0xC80000, s4  }
0xa: {  	_ =	strace $0x80000047;
	s5 =	sor.u32 s4, s5;
	s18 =	smul.u32 $0x3200, s4  }
0xb: {  	s6 =	ssub.s32 $0x2, s4;
	s0 =	sadd.s32 s7, s0;
	s5 =	smul.u32 $0x3200, s5  }
0xc: {  	s9 =	sshrl.u32 s6, $0x1;
	s0 =	sadd.s32 $0x64600, s0;
	s20 =	sadd.s32 s10, s8  }
0xd: {  	s9 =	ssub.s32 s6, s9;
	[dreg:$0x4] =	wrdreg s0;
	s0 =	sadd.s32 s16, s2  }
0xe: {  	s12 =	sadd.s32 s17, s11;
	s16 =	simm.s32 $0x200;
	s17 =	simm.s32 $0x1  }
0xf: {  	[dreg:$0x5] =	wrdreg s0;
	s6 =	sadd.s32 s8, s5;
	s8 =	smax.u32 s9, $0x1  }
0x10: {  	s0 =	sadd.s32 s18, s20;
	s21 =	sor.u32 $0x10000, s12;
	s23 =	sor.u32 $0x8000, s12  }
0x11: {  	s25 =	sor.u32 $0x18000, s12;
	s26 =	sshrl.u32 s12, $0x3;
	s18 =	simm.s32 $0x80  }
0x12: {  	s20 =	simm.s32 $0x5;
	s19 =	sadd.s32 $0x40, s6;
	s5 =	sadd.s32 $0x80, s0  }
0x13: {  	s22 =	sshrl.u32 s21, $0x3;
	s24 =	sshrl.u32 s23, $0x3;
	s4 =	sshrl.u32 s25, $0x3  }
.Ltmp0:
0x14: {  	s12 =	sadd.s32 s26, s1;
	s21 =	simm.s32 $0x100;
	(pc) =	sbr.rel .LBB2_1-.Ltmp0, $4  }
0x15: {  	s23 =	simm.s32 $0x180;
	s25 =	simm.s32 $0x6;
	s26 =	simm.s32 $0x3  }
0x16: {  	s0 =	simm.s32 $0x380;
	[dreg:$0x6] =	wrdreg s19;
	s10 =	sadd.s32 s22, s1  }
0x17: {  	s11 =	sadd.s32 s24, s1;
	s13 =	sadd.s32 s4, s1;
	s19 =	simm.s32 $0x4400  }
0x18: {  	s22 =	simm.s32 $0x8400;
	s24 =	simm.s32 $0xC400;
	s1 =	simm.s32 $0x0  }
.LBB2_4:
0x19: {  	s1 =	sadd.s32 $0x1, s1  }
0x1a: {  	_ =	swait.ge [sflag:s26], $0x8000;
	p0 =	sne.s32 s1, s8  }
.Ltmp1:
0x1b: {  	[sflag:s26] =	ssyncset.done $0x0;
	(pc) =	sbr.rel @!p0 .LBB2_5-.Ltmp1, $4  }
0x1c: {  	[sflag:s26] =	ssyncadd.s32 $0xFFFF8000  }
0x1d: {  	_ =	swait.ge [sflag:s30], $0x8000  }
0x1e: {  	[sflag:s30] =	ssyncset.done $0x0  }
0x1f: {  	[sflag:s30] =	ssyncadd.s32 $0xFFFF8000  }
.LBB2_1:
0x20: {  	s4 =	rddreg [dreg:$0x4]  }
0x21: {  	[tilespmem:s14], [sflag:$0x7] =	stream.linear.gather [hbm4b:s4+s3], $0x2000, $0x38;
	[tilespmem:$0x12400] =	vst v63  }
0x22: {  	_ =	swait.ge [sflag:s15], $0x2000  }
0x23: {  	[sflag:s15] =	ssyncset.done $0x0  }
0x24: {  	s7 =	rddreg [dreg:$0x5];
	[sflag:s15] =	ssyncadd.s32 $0xFFFFE000  }
0x25: {  	[spmem:s7] =	stream.linear.scatter [tilespmem:s14], [sflag:$0x7], $0x2000, $0x38;
	[tilespmem:$0x12400] =	vst v63  }
0x26: {  	_ =	swait.ge [sflag:s15], $0x2000  }
0x27: {  	[sflag:s15] =	ssyncset.done $0x0  }
0x28: {  	[sflag:s15] =	ssyncadd.s32 $0xFFFFE000  }
0x29: {  	[bflag:$0x0] =	sbarrier.arrive $0xFFFF  }
0x2a: {  	[tilespmem:s3], [sflag:$0x1] =	stream.linear.gather [hbm4b:s6+s3], $0x200, $0x38;
	[tilespmem:$0x12400] =	vst v63  }
0x2b: {  	s9 =	rddreg [dreg:$0x6]  }
0x2c: {  	[tilespmem:s16], [sflag:$0x2] =	stream.linear.gather [hbm4b:s9+s3], $0x200, $0x38;
	[tilespmem:$0x12400] =	vst v63  }
0x2d: {  	_ =	swait.ge [sflag:s17], $0x200  }
0x2e: {  	[sflag:s17] =	ssyncset.done $0x0  }
0x2f: {  	[sflag:s17] =	ssyncadd.s32 $0xFFFFFE00  }
0x30: {  	[tilespmem:s14], [sflag:$0x5] =	stream.indirect.gather [spmem:s2], $0x80, s3, s18, $0xb8;
	[tilespmem:$0x12400] =	vst v63  }
0x31: {  	s4 =	simm.s32 $0x0;
	s9 =	smov.u32 s5  }
0x32: {  	[tilespmem:s19], [sflag:$0x5] =	stream.indirect.gather [spmem:s2], $0x80, s18, s18, $0xb8;
	[tilespmem:$0x12400] =	vst v63  }
.LBB2_2:
0x33: {  	_ =	swait.ge [sflag:s20], $0x4000  }
0x34: {  	[sflag:s20] =	ssyncset.done $0x0  }
0x35: {  	[sflag:s20] =	ssyncadd.s32 $0xFFFFC000  }
0x36: {  	_ =	swait.ge [sflag:s20], $0x4000  }
0x37: {  	[sflag:s20] =	ssyncset.done $0x0  }
0x38: {  	s7 =	sadd.s32 s4, s12;
	p0 =	seq.s32 s4, $0x0;
	[sflag:s20] =	ssyncadd.s32 $0xFFFFC000  }
0x39: {  	[hbm4b:s7+s3] =	stream.linear.scatter [tilespmem:s14], [sflag:$0x3], $0x8000, $0x38;
	[tilespmem:$0x12400] =	vst v63  }
0x3a: {  	s7 =	simm.s32 @!p0 $0x4  }
0x3b: {  	_ =	swait.ge @!p0 [sflag:s7], $0x8000  }
0x3c: {  	[sflag:s7] =	ssyncset.done @!p0 $0x0  }
0x3d: {  	[sflag:s7] =	ssyncadd.s32 @!p0 $0xFFFF8000  }
0x3e: {  	[tilespmem:s22], [sflag:$0x6] =	stream.indirect.gather [spmem:s2], $0x80, s21, s18, $0xb8;
	[tilespmem:$0x12400] =	vst v63  }
0x3f: {  	_ = 	snop  }
0x40: {  	[tilespmem:s24], [sflag:$0x6] =	stream.indirect.gather [spmem:s2], $0x80, s23, s18, $0xb8;
	[tilespmem:$0x12400] =	vst v63  }
0x41: {  	_ =	swait.ge [sflag:s25], $0x4000  }
0x42: {  	[sflag:s25] =	ssyncset.done $0x0  }
0x43: {  	[sflag:s25] =	ssyncadd.s32 $0xFFFFC000  }
0x44: {  	_ =	swait.ge [sflag:s25], $0x4000  }
0x45: {  	[sflag:s25] =	ssyncset.done $0x0  }
0x46: {  	s7 =	sadd.s32 s4, s11;
	p0 =	seq.s32 s4, $0x18C000;
	[sflag:s25] =	ssyncadd.s32 $0xFFFFC000  }
0x47: {  	[hbm4b:s7+s3] =	stream.linear.scatter [tilespmem:s22], [sflag:$0x4], $0x8000, $0x38;
	[tilespmem:$0x12400] =	vst v63  }
0x48: {  	s7 =	simm.s32 @!p0 $0x0  }
0x49: {  	[tilespmem:s7], [sflag:$0x1] =	stream.linear.gather @!p0 [hbm4b:s9+s7], $0x200, $0x38;
	[tilespmem:$0x12400] =	vst v63  }
0x4a: {  	_ =	swait.ge [sflag:s26], $0x8000  }
0x4b: {  	[sflag:s26] =	ssyncset.done $0x0  }
0x4c: {  	[sflag:s26] =	ssyncadd.s32 $0xFFFF8000  }
0x4d: {  	_ =	swait.ge [sflag:s28], $0x200  }
0x4e: {  	[sflag:s28] =	ssyncset.done $0x0  }
0x4f: {  	[sflag:s28] =	ssyncadd.s32 $0xFFFFFE00  }
0x50: {  	[tilespmem:s14], [sflag:$0x5] =	stream.indirect.gather [spmem:s2], $0x80, s16, s18, $0xb8;
	[tilespmem:$0x12400] =	vst v63  }
0x51: {  	_ = 	snop  }
0x52: {  	[tilespmem:s19], [sflag:$0x5] =	stream.indirect.gather [spmem:s2], $0x80, s29, s18, $0xb8;
	[tilespmem:$0x12400] =	vst v63  }
0x53: {  	_ =	swait.ge [sflag:s20], $0x4000  }
0x54: {  	[sflag:s20] =	ssyncset.done $0x0  }
0x55: {  	[sflag:s20] =	ssyncadd.s32 $0xFFFFC000  }
0x56: {  	_ =	swait.ge [sflag:s20], $0x4000  }
0x57: {  	[sflag:s20] =	ssyncset.done $0x0  }
0x58: {  	s7 =	sadd.s32 s4, s10;
	[sflag:s20] =	ssyncadd.s32 $0xFFFFC000  }
0x59: {  	[hbm4b:s7+s3] =	stream.linear.scatter [tilespmem:s14], [sflag:$0x3], $0x8000, $0x38;
	[tilespmem:$0x12400] =	vst v63  }
0x5a: {  	_ =	swait.ge [sflag:s30], $0x8000  }
0x5b: {  	[sflag:s30] =	ssyncset.done $0x0  }
0x5c: {  	[sflag:s30] =	ssyncadd.s32 $0xFFFF8000  }
0x5d: {  	[tilespmem:s22], [sflag:$0x6] =	stream.indirect.gather [spmem:s2], $0x80, s31, s18, $0xb8;
	[tilespmem:$0x12400] =	vst v63  }
0x5e: {  	_ = 	snop  }
0x5f: {  	[tilespmem:s24], [sflag:$0x6] =	stream.indirect.gather [spmem:s2], $0x80, s0, s18, $0xb8;
	[tilespmem:$0x12400] =	vst v63  }
0x60: {  	_ =	swait.ge [sflag:s25], $0x4000  }
0x61: {  	[sflag:s25] =	ssyncset.done $0x0  }
.Ltmp2:
0x62: {  	[sflag:s25] =	ssyncadd.s32 $0xFFFFC000;
	(pc) =	sbr.rel @p0 .LBB2_4-.Ltmp2, $4  }
0x63: {  	_ =	swait.ge [sflag:s25], $0x4000  }
0x64: {  	[sflag:s25] =	ssyncset.done $0x0  }
0x65: {  	s7 =	sadd.s32 s4, s13;
	[sflag:s25] =	ssyncadd.s32 $0xFFFFC000  }
0x66: {  	[hbm4b:s7+s3] =	stream.linear.scatter [tilespmem:s22], [sflag:$0x4], $0x8000, $0x38;
	[tilespmem:$0x12400] =	vst v63  }
0x67: {  	s7 =	sadd.s32 $0x40, s9  }
0x68: {  	[tilespmem:s16], [sflag:$0x2] =	stream.linear.gather [hbm4b:s7+s3], $0x200, $0x38;
	[tilespmem:$0x12400] =	vst v63  }
0x69: {  	_ =	swait.ge [sflag:s26], $0x8000  }
0x6a: {  	[sflag:s26] =	ssyncset.done $0x0  }
0x6b: {  	[sflag:s26] =	ssyncadd.s32 $0xFFFF8000  }
0x6c: {  	_ =	swait.ge [sflag:s17], $0x200  }
.Ltmp3:
0x6d: {  	[sflag:s17] =	ssyncset.done $0x0;
	(pc) =	sbr.rel .LBB2_2-.Ltmp3, $4  }
0x6e: {  	[sflag:s17] =	ssyncadd.s32 $0xFFFFFE00  }
0x6f: {  	[tilespmem:s14], [sflag:$0x5] =	stream.indirect.gather [spmem:s2], $0x80, s3, s18, $0xb8;
	[tilespmem:$0x12400] =	vst v63  }
0x70: {  	s9 =	sadd.s32 $0x80, s9;
	s4 =	sadd.s32 $0x4000, s4  }
0x71: {  	[tilespmem:s19], [sflag:$0x5] =	stream.indirect.gather [spmem:s2], $0x80, s18, s18, $0xb8;
	[tilespmem:$0x12400] =	vst v63  }
.LBB2_5:
0x72: {  	_ =	sfence.sel $0x180000  }
0x73: {  	[bflag:$0x0] =	sbarrier.arrive $0xFFFF  }
0x74: {  	_ =	strace $0x90000047  }
0x75: {  	s0 =	stileid.u32;
	[bflag:$0x2] =	sbarrier.arrive $0xFFFF  }
0x76: {  	p0 =	sne.s32 s0, $0x0;
	s0 =	rddreg [dreg:$0x3]  }
0x77: {  	s0 =	sadd.s32 @!p0 $0x100000, s0  }
0x78: {  	[sflag:s0] =	ssyncadd.tile.s32 @!p0 $0x1;
	_ =	shalt  }
.Lfunc_end2:
_tile_overlayer_lowered:
.L_overlay_start_2:
0x79: {  	(tag) =	ssettag $0x2  }
0x7a: {  	s0 =	rddreg [dreg:$0x0];
	s2 =	stileid.u32  }
0x7b: {  	s1 =	rddreg [dreg:$0x1];
	p0 =	sne.s32 s2, $0x0  }
0x7c: {  	s3 =	rddreg [dreg:$0x2];
	[bflag:$0x3] =	sbarrier.arrive $0xFFFF;
	s2 =	simm.s32 @!p0 $0x1C07  }
0x7d: {  	[timem:s3], [sflag:s2] =	dma.local @!p0 [hbm:s0], s1  }
0x7e: {  	s0 =	simm.s32 @!p0 $0x7  }
0x7f: {  	_ =	swait.ge @!p0 [sflag:s0], s1  }
0x80: {  	s1 =	ssub.s32 @!p0 $0x0, s1;
	[sflag:s0] =	ssyncset.done @!p0 $0x0  }
0x81: {  	[sflag:s0] =	ssyncadd.s32 @!p0 s1  }
0x82: {  	[bflag:$0x3] =	sbarrier.arrive $0xFFFF  }
0x83: {  	_ =	shalt  }

</sc_bundles>
